<compile_context>
chip_gen: v7x
topology: tpu7x:2x2x1
jax: 0.10.2.dev20260603
libtpu: 0.0.44.dev20260713+nightly
codegen_flags: <defaults>
</compile_context>

<pallas_src>
import functools

import jax
import jax.numpy as jnp
from jax import lax
from jax.experimental import pallas as pl
from jax.experimental.pallas import tpu as pltpu
from jax.experimental.pallas import tpu_sc as plsc

NUM_CLASSES = 8
GAMMA = 2.0
CE_W = 1.0
D_W = 0.1

ROWS = 128
ACC_ROWS = 16

_NC, _NS, _LANES = 2, 16, 16
_NW = _NC * _NS
_UNROLL = 8


def _rsum(a):
    return jnp.sum(a.reshape(ROWS // 8, 8, 512), axis=0)


def _tc_body(x_ref, t_ref, out_ref, acc_ref):
    step = pl.program_id(0) * pl.num_programs(1) + pl.program_id(1)
    last = pl.num_programs(0) * pl.num_programs(1) - 1

    @pl.when(step == 0)
    def _init():
        acc_ref[...] = jnp.zeros((ACC_ROWS, 8, 512), jnp.float32)

    x = x_ref[...]
    t = t_ref[0]

    m = jnp.max(x, axis=0)
    e = jnp.exp(x - m[None])
    z = jnp.sum(e, axis=0)
    rz = 1.0 / z

    pt = jnp.zeros_like(m)
    for c in range(NUM_CLASSES):
        sel = t == c
        pw = e[c] * rz
        if c < NUM_CLASSES - 1:
            iw = jnp.where(sel, pw, 0.0)
            acc_ref[7 + c] += _rsum(iw)
        pt = jnp.where(sel, pw, pt)
        if c >= 1:
            acc_ref[c - 1] += _rsum(pw)

    acc_ref[14] += _rsum(pt)
    omp = 1.0 - pt
    focal = omp * omp * jnp.log(pt)
    acc_ref[15] += _rsum(focal)

    @pl.when(step == last)
    def _final():
        tot = jnp.sum(acc_ref[...], axis=(1, 2))
        for i in range(ACC_ROWS):
            out_ref[0, i] = tot[i]


def _tc_partials(xs, ts):
    b8, h, w = xs.shape
    b = b8 // NUM_CLASSES
    nh = h // ROWS
    return pl.pallas_call(
        _tc_body,
        grid=(b, nh),
        in_specs=[
            pl.BlockSpec((NUM_CLASSES, ROWS, w),
                         lambda i, j: (i, j, jnp.int32(0))),
            pl.BlockSpec((1, ROWS, w),
                         lambda i, j: (i, j, jnp.int32(0))),
        ],
        out_specs=pl.BlockSpec(
            (1, ACC_ROWS),
            lambda i, j: (jnp.int32(0), jnp.int32(0)),
            memory_space=pltpu.SMEM),
        out_shape=jax.ShapeDtypeStruct((1, ACC_ROWS), jnp.float32),
        scratch_shapes=[pltpu.VMEM((ACC_ROWS, 8, 512), jnp.float32)],
        compiler_params=pltpu.CompilerParams(
            dimension_semantics=("arbitrary", "arbitrary"),
        ),
    )(xs, ts)


def _sc_hist_kernel(npix):
    chunk = npix // _NW
    groups = chunk // _LANES
    mesh = plsc.VectorSubcoreMesh(core_axis_name="c", subcore_axis_name="s")

    @functools.partial(
        pl.kernel, mesh=mesh,
        out_type=jax.ShapeDtypeStruct((_NW, NUM_CLASSES * _LANES),
                                      jnp.float32),
        scratch_types=[
            pltpu.VMEM((chunk,), jnp.int32),
            pltpu.VMEM((NUM_CLASSES * _LANES,), jnp.float32),
        ],
        compiler_params=pltpu.CompilerParams(needs_layout_passes=False),
    )
    def hist(t_hbm, out_hbm, tv_ref, hist_ref):
        wid = (lax.axis_index("s") * jnp.int32(_NC)
               + lax.axis_index("c"))
        base = wid * jnp.int32(chunk)
        pltpu.sync_copy(t_hbm.at[pl.ds(base, chunk)], tv_ref)
        for i in range(NUM_CLASSES):
            hist_ref[pl.ds(i * _LANES, _LANES)] = jnp.zeros(
                (_LANES,), jnp.float32)
        lane = lax.iota(jnp.int32, _LANES)
        ones = jnp.ones((_LANES,), jnp.float32)

        def body(_, off):
            for u in range(_UNROLL):
                tv = tv_ref[pl.ds(off + jnp.int32(u * _LANES), _LANES)]
                idx = (tv << jnp.int32(4)) + lane
                plsc.addupdate_scatter(hist_ref, [idx], ones)
            return off + jnp.int32(_UNROLL * _LANES)

        lax.fori_loop(0, groups // _UNROLL, body, jnp.int32(0))
        pltpu.sync_copy(hist_ref, out_hbm.at[wid])

    return hist


def _assemble(tot, table, total_v):
    v = jnp.float32(total_v)
    n = jnp.sum(table.reshape(_NW, NUM_CLASSES, _LANES), axis=(0, 2))
    ce = -tot[15] / v

    i7 = tot[14] - (tot[7] + tot[8] + tot[9] + tot[10] + tot[11]
                    + tot[12] + tot[13])

    d_loss = jnp.float32(0.0)
    eps = jnp.float32(1e-05)
    s_rest = jnp.float32(0.0)
    for c in range(1, NUM_CLASSES):
        sc = tot[c - 1]
        inter = tot[7 + c] if c < NUM_CLASSES - 1 else i7
        nc = n[c]
        s_rest = s_rest + sc
        union = sc + nc + eps
        term = 1.0 - (2.0 * inter + eps) / union
        d_loss = d_loss + jnp.where(nc > 10.0, term, jnp.float32(0.0))
    d_loss = d_loss / (NUM_CLASSES - 1)

    n_rest = jnp.sum(n[1:])
    eps2 = jnp.float32(0.001)
    s0 = v - s_rest
    i0 = tot[7]
    do0 = s_rest
    dt0 = n_rest
    inter0 = dt0 - (s0 - i0)
    loc = 1.0 - (2.0 * inter0 + eps2) / (do0 + dt0 + eps2)

    res = CE_W * ce + D_W * d_loss + D_W * loc
    return res.astype(jnp.float32).reshape(())


@functools.partial(jax.jit, static_argnames=())
def _loss(outputs, targets):
    b, c, h, w = outputs.shape
    xs = outputs.reshape(b * c, h, w)
    ts = targets.astype(jnp.int32)
    table = _sc_hist_kernel(b * h * w)(ts.reshape(-1))
    partials = _tc_partials(xs, ts)
    return _assemble(partials[0], table, b * h * w)


def kernel(outputs, targets):
    return _loss(outputs, targets)

# --- scband reference (transcript-rebuilt; emitter-appended) ---
"""Pipeline reference for scband-focal-loss-with-dice-81406810128870 (READ-ONLY COPY).

The authoritative reference and input builder live on the scoring server;
editing this copy changes nothing except your own understanding.
"""

import jax, jax.numpy as jnp
import numpy as np
jax.config.update('jax_enable_x64', True)

NUM_CLASSES = 8
IGNORE_INDEX = 255
GAMMA = 2.0
CE_W = 1.0
D_W = 0.1


def setup_inputs(seed: int = 0):
    key = jax.random.key(seed)
    k1, k2 = jax.random.split(key)
    outputs = jax.random.normal(k1, (4, NUM_CLASSES, 512, 512), dtype=jnp.float32)
    targets = jax.random.randint(k2, (4, 512, 512), 0, NUM_CLASSES).astype(jnp.int64)
    return {'outputs': outputs, 'targets': targets}


def _focal_dice_loss(outputs, targets):
    probs = jax.nn.softmax(outputs, axis=1)
    logp = jax.nn.log_softmax(outputs, axis=1)
    focal = (1.0 - probs) ** GAMMA * logp
    valid = targets != IGNORE_INDEX
    safe_t = jnp.where(valid, targets, 0)
    gathered = jnp.take_along_axis(focal, safe_t[:, None, :, :], axis=1)[:, 0]
    vf = valid.astype(focal.dtype)
    # NLLLoss2d with size_average=True and ignore_index: mean of -gathered over valid pixels
    ce_loss = -jnp.sum(gathered * vf) / jnp.maximum(jnp.sum(vf), 1.0)

    # soft_dice_loss_mc (ohpm=False, per_image=False, only_existing_classes=False)
    eps = 1e-05
    tflat = targets.reshape(-1)
    vflat = vf.reshape(-1)
    d_loss = jnp.asarray(0.0, dtype=probs.dtype)
    for cls in range(1, NUM_CLASSES):
        dt = (tflat == cls).astype(probs.dtype) * vflat
        do = probs[:, cls].reshape(-1) * vflat
        inter = jnp.sum(do * dt)
        union = jnp.sum(do) + jnp.sum(dt) + eps
        term = 1.0 - (2.0 * inter + eps) / union
        d_loss = d_loss + jnp.where(jnp.sum(dt) > 10, term, 0.0)
    d_loss = d_loss / (NUM_CLASSES - 1)

    # soft_dice_loss on foreground probability (binary localization dice)
    eps2 = 0.001
    do0 = (1.0 - probs[:, 0]).reshape(-1) * vflat
    dt0 = (tflat > 0).astype(probs.dtype) * vflat
    inter0 = jnp.sum(do0 * dt0)
    union0 = jnp.sum(do0) + jnp.sum(dt0) + eps2
    loc = 1.0 - (2.0 * inter0 + eps2) / union0

    return CE_W * ce_loss + D_W * d_loss + D_W * loc


def reference(outputs, targets):
    return _focal_dice_loss(outputs, targets)

if __name__ == "__main__":
    import jax
    _d = setup_inputs()
    print(jax.jit(kernel)(*tuple(_d.values())))

</pallas_src>

<mosaic_0001>
#map = affine_map<(d0, d1) -> (0)>
#map1 = affine_map<(d0, d1) -> (0, 0)>
module attributes {stable_mosaic.version = 14 : i64} {
  func.func @hist(%arg0: i32, %arg1: i32, %arg2: memref<1048576xi32, #tpu.memory_space<hbm>>, %arg3: memref<32x128xf32, #tpu.memory_space<hbm>>, %arg4: memref<32768xi32, #tpu.memory_space<vmem>>, %arg5: memref<128xf32, #tpu.memory_space<vmem>>) attributes {dimension_semantics = [#tpu.dimension_semantics<core_parallel>, #tpu.dimension_semantics<subcore_parallel>], iteration_bounds = array<i64: 2, 16>, scalar_prefetch = 0 : i64, scratch_operands = 2 : i64, tpu.core_type = #tpu.core_type<sc_vector_subcore>, window_params = [{transform_indices = #map}, {transform_indices = #map1}]} {
    %mul3A = arith.constant 2 : i32
    %mul3A_0 = arith.muli %arg1, %mul3A : i32
    %add3A = arith.addi %mul3A_0, %arg0 : i32
    %mul3A_1 = arith.constant 32768 : i32
    %mul3A_2 = arith.muli %add3A, %mul3A_1 : i32
    "tpu.region"() ({
      %run_scoped3A = tpu.sem_alloc : memref<!tpu.dma_semaphore, #tpu.memory_space<semaphore_mem>>
      %dma_start3A = tpu.memref_slice %arg2[%mul3A_2] : memref<1048576xi32, #tpu.memory_space<hbm>> -> memref<32768xi32, #tpu.memory_space<hbm>>
      %dma_start3A_41 = tpu.memref_slice %arg2[%mul3A_2] : memref<1048576xi32, #tpu.memory_space<hbm>> -> memref<32768xi32, #tpu.memory_space<hbm>>
      tpu.enqueue_dma source(%dma_start3A_41 : memref<32768xi32, #tpu.memory_space<hbm>>) target(%arg4 : memref<32768xi32, #tpu.memory_space<vmem>>) target_semaphore(%run_scoped3A : memref<!tpu.dma_semaphore, #tpu.memory_space<semaphore_mem>>)
      %dma_wait3A = tpu.memref_slice %arg2[%mul3A_2] : memref<1048576xi32, #tpu.memory_space<hbm>> -> memref<32768xi32, #tpu.memory_space<hbm>>
      %dma_wait3A_42 = tpu.memref_slice %arg2[%mul3A_2] : memref<1048576xi32, #tpu.memory_space<hbm>> -> memref<32768xi32, #tpu.memory_space<hbm>>
      tpu.wait_dma2 semaphore(%run_scoped3A : memref<!tpu.dma_semaphore, #tpu.memory_space<semaphore_mem>>) src(%dma_wait3A_42 : memref<32768xi32, #tpu.memory_space<hbm>>) dst(%arg4 : memref<32768xi32, #tpu.memory_space<vmem>>)
      tpu.yield
    }) : () -> ()
    %broadcast_in_dim3A = arith.constant 0.000000e+00 : f32
    %broadcast_in_dim3A_3 = vector.broadcast %broadcast_in_dim3A : f32 to vector<16xf32>
    %swap3A = arith.constant 0 : index
    %swap3A_4 = tpu.vector_load %arg5[%swap3A] {strides = array<i32>} : memref<128xf32, #tpu.memory_space<vmem>>, vector<16xf32>,
    tpu.vector_store %arg5[%swap3A], %broadcast_in_dim3A_3 {strides = array<i32>} : memref<128xf32, #tpu.memory_space<vmem>>, vector<16xf32>,
    %broadcast_in_dim3A_5 = arith.constant 0.000000e+00 : f32
    %broadcast_in_dim3A_6 = vector.broadcast %broadcast_in_dim3A_5 : f32 to vector<16xf32>
    %swap3A_7 = arith.constant 16 : index
    %swap3A_8 = tpu.vector_load %arg5[%swap3A_7] {strides = array<i32>} : memref<128xf32, #tpu.memory_space<vmem>>, vector<16xf32>,
    tpu.vector_store %arg5[%swap3A_7], %broadcast_in_dim3A_6 {strides = array<i32>} : memref<128xf32, #tpu.memory_space<vmem>>, vector<16xf32>,
    %broadcast_in_dim3A_9 = arith.constant 0.000000e+00 : f32
    %broadcast_in_dim3A_10 = vector.broadcast %broadcast_in_dim3A_9 : f32 to vector<16xf32>
    %swap3A_11 = arith.constant 32 : index
    %swap3A_12 = tpu.vector_load %arg5[%swap3A_11] {strides = array<i32>} : memref<128xf32, #tpu.memory_space<vmem>>, vector<16xf32>,
    tpu.vector_store %arg5[%swap3A_11], %broadcast_in_dim3A_10 {strides = array<i32>} : memref<128xf32, #tpu.memory_space<vmem>>, vector<16xf32>,
    %broadcast_in_dim3A_13 = arith.constant 0.000000e+00 : f32
    %broadcast_in_dim3A_14 = vector.broadcast %broadcast_in_dim3A_13 : f32 to vector<16xf32>
    %swap3A_15 = arith.constant 48 : index
    %swap3A_16 = tpu.vector_load %arg5[%swap3A_15] {strides = array<i32>} : memref<128xf32, #tpu.memory_space<vmem>>, vector<16xf32>,
    tpu.vector_store %arg5[%swap3A_15], %broadcast_in_dim3A_14 {strides = array<i32>} : memref<128xf32, #tpu.memory_space<vmem>>, vector<16xf32>,
    %broadcast_in_dim3A_17 = arith.constant 0.000000e+00 : f32
    %broadcast_in_dim3A_18 = vector.broadcast %broadcast_in_dim3A_17 : f32 to vector<16xf32>
    %swap3A_19 = arith.constant 64 : index
    %swap3A_20 = tpu.vector_load %arg5[%swap3A_19] {strides = array<i32>} : memref<128xf32, #tpu.memory_space<vmem>>, vector<16xf32>,
    tpu.vector_store %arg5[%swap3A_19], %broadcast_in_dim3A_18 {strides = array<i32>} : memref<128xf32, #tpu.memory_space<vmem>>, vector<16xf32>,
    %broadcast_in_dim3A_21 = arith.constant 0.000000e+00 : f32
    %broadcast_in_dim3A_22 = vector.broadcast %broadcast_in_dim3A_21 : f32 to vector<16xf32>
    %swap3A_23 = arith.constant 80 : index
    %swap3A_24 = tpu.vector_load %arg5[%swap3A_23] {strides = array<i32>} : memref<128xf32, #tpu.memory_space<vmem>>, vector<16xf32>,
    tpu.vector_store %arg5[%swap3A_23], %broadcast_in_dim3A_22 {strides = array<i32>} : memref<128xf32, #tpu.memory_space<vmem>>, vector<16xf32>,
    %broadcast_in_dim3A_25 = arith.constant 0.000000e+00 : f32
    %broadcast_in_dim3A_26 = vector.broadcast %broadcast_in_dim3A_25 : f32 to vector<16xf32>
    %swap3A_27 = arith.constant 96 : index
    %swap3A_28 = tpu.vector_load %arg5[%swap3A_27] {strides = array<i32>} : memref<128xf32, #tpu.memory_space<vmem>>, vector<16xf32>,
    tpu.vector_store %arg5[%swap3A_27], %broadcast_in_dim3A_26 {strides = array<i32>} : memref<128xf32, #tpu.memory_space<vmem>>, vector<16xf32>,
    %broadcast_in_dim3A_29 = arith.constant 0.000000e+00 : f32
    %broadcast_in_dim3A_30 = vector.broadcast %broadcast_in_dim3A_29 : f32 to vector<16xf32>
    %swap3A_31 = arith.constant 112 : index
    %swap3A_32 = tpu.vector_load %arg5[%swap3A_31] {strides = array<i32>} : memref<128xf32, #tpu.memory_space<vmem>>, vector<16xf32>,
    tpu.vector_store %arg5[%swap3A_31], %broadcast_in_dim3A_30 {strides = array<i32>} : memref<128xf32, #tpu.memory_space<vmem>>, vector<16xf32>,
    %iota3A = tpu.iota {dimensions = array<i32: 0>} : vector<16xi32>
    %broadcast_in_dim3A_33 = arith.constant 1.000000e+00 : f32
    %broadcast_in_dim3A_34 = vector.broadcast %broadcast_in_dim3A_33 : f32 to vector<16xf32>
    %scan3A = arith.constant 0 : i32
    %scan3A_35 = arith.constant 0 : i32
    %scan3A_36 = arith.constant 256 : i32
    %scan3A_37 = arith.addi %scan3A_35, %scan3A_36 : i32
    %scan3A_38 = arith.constant 1 : i32
    %scan3A_39 = scf.for %scan3A_41 = %scan3A_35 to %scan3A_37 step %scan3A_38 iter_args(%scan3A_42 = %scan3A) -> (i32)  : i32 {
      %add3A_43 = arith.constant 0 : i32
      %add3A_44 = arith.addi %scan3A_42, %add3A_43 : i32
      %get3A = arith.index_cast %add3A_44 : i32 to index
      %get3A_45 = tpu.vector_load %arg4[%get3A] {strides = array<i32>} : memref<32768xi32, #tpu.memory_space<vmem>>, vector<16xi32>,
      %shift_left3A = arith.constant 4 : i32
      %shift_left3A_46 = vector.broadcast %shift_left3A : i32 to vector<16xi32>
      %shift_left3A_47 = arith.shli %get3A_45, %shift_left3A_46 : vector<16xi32>
      %add3A_48 = arith.addi %shift_left3A_47, %iota3A : vector<16xi32>
      tpu.vector_store_idx %arg5[%add3A_48], %broadcast_in_dim3A_34 {add = true} : memref<128xf32, #tpu.memory_space<vmem>>[vector<16xi32>], vector<16xf32>,
      %add3A_49 = arith.constant 16 : i32
      %add3A_50 = arith.addi %scan3A_42, %add3A_49 : i32
      %get3A_51 = arith.index_cast %add3A_50 : i32 to index
      %get3A_52 = tpu.vector_load %arg4[%get3A_51] {strides = array<i32>} : memref<32768xi32, #tpu.memory_space<vmem>>, vector<16xi32>,
      %shift_left3A_53 = arith.constant 4 : i32
      %shift_left3A_54 = vector.broadcast %shift_left3A_53 : i32 to vector<16xi32>
      %shift_left3A_55 = arith.shli %get3A_52, %shift_left3A_54 : vector<16xi32>
      %add3A_56 = arith.addi %shift_left3A_55, %iota3A : vector<16xi32>
      tpu.vector_store_idx %arg5[%add3A_56], %broadcast_in_dim3A_34 {add = true} : memref<128xf32, #tpu.memory_space<vmem>>[vector<16xi32>], vector<16xf32>,
      %add3A_57 = arith.constant 32 : i32
      %add3A_58 = arith.addi %scan3A_42, %add3A_57 : i32
      %get3A_59 = arith.index_cast %add3A_58 : i32 to index
      %get3A_60 = tpu.vector_load %arg4[%get3A_59] {strides = array<i32>} : memref<32768xi32, #tpu.memory_space<vmem>>, vector<16xi32>,
      %shift_left3A_61 = arith.constant 4 : i32
      %shift_left3A_62 = vector.broadcast %shift_left3A_61 : i32 to vector<16xi32>
      %shift_left3A_63 = arith.shli %get3A_60, %shift_left3A_62 : vector<16xi32>
      %add3A_64 = arith.addi %shift_left3A_63, %iota3A : vector<16xi32>
      tpu.vector_store_idx %arg5[%add3A_64], %broadcast_in_dim3A_34 {add = true} : memref<128xf32, #tpu.memory_space<vmem>>[vector<16xi32>], vector<16xf32>,
      %add3A_65 = arith.constant 48 : i32
      %add3A_66 = arith.addi %scan3A_42, %add3A_65 : i32
      %get3A_67 = arith.index_cast %add3A_66 : i32 to index
      %get3A_68 = tpu.vector_load %arg4[%get3A_67] {strides = array<i32>} : memref<32768xi32, #tpu.memory_space<vmem>>, vector<16xi32>,
      %shift_left3A_69 = arith.constant 4 : i32
      %shift_left3A_70 = vector.broadcast %shift_left3A_69 : i32 to vector<16xi32>
      %shift_left3A_71 = arith.shli %get3A_68, %shift_left3A_70 : vector<16xi32>
      %add3A_72 = arith.addi %shift_left3A_71, %iota3A : vector<16xi32>
      tpu.vector_store_idx %arg5[%add3A_72], %broadcast_in_dim3A_34 {add = true} : memref<128xf32, #tpu.memory_space<vmem>>[vector<16xi32>], vector<16xf32>,
      %add3A_73 = arith.constant 64 : i32
      %add3A_74 = arith.addi %scan3A_42, %add3A_73 : i32
      %get3A_75 = arith.index_cast %add3A_74 : i32 to index
      %get3A_76 = tpu.vector_load %arg4[%get3A_75] {strides = array<i32>} : memref<32768xi32, #tpu.memory_space<vmem>>, vector<16xi32>,
      %shift_left3A_77 = arith.constant 4 : i32
      %shift_left3A_78 = vector.broadcast %shift_left3A_77 : i32 to vector<16xi32>
      %shift_left3A_79 = arith.shli %get3A_76, %shift_left3A_78 : vector<16xi32>
      %add3A_80 = arith.addi %shift_left3A_79, %iota3A : vector<16xi32>
      tpu.vector_store_idx %arg5[%add3A_80], %broadcast_in_dim3A_34 {add = true} : memref<128xf32, #tpu.memory_space<vmem>>[vector<16xi32>], vector<16xf32>,
      %add3A_81 = arith.constant 80 : i32
      %add3A_82 = arith.addi %scan3A_42, %add3A_81 : i32
      %get3A_83 = arith.index_cast %add3A_82 : i32 to index
      %get3A_84 = tpu.vector_load %arg4[%get3A_83] {strides = array<i32>} : memref<32768xi32, #tpu.memory_space<vmem>>, vector<16xi32>,
      %shift_left3A_85 = arith.constant 4 : i32
      %shift_left3A_86 = vector.broadcast %shift_left3A_85 : i32 to vector<16xi32>
      %shift_left3A_87 = arith.shli %get3A_84, %shift_left3A_86 : vector<16xi32>
      %add3A_88 = arith.addi %shift_left3A_87, %iota3A : vector<16xi32>
      tpu.vector_store_idx %arg5[%add3A_88], %broadcast_in_dim3A_34 {add = true} : memref<128xf32, #tpu.memory_space<vmem>>[vector<16xi32>], vector<16xf32>,
      %add3A_89 = arith.constant 96 : i32
      %add3A_90 = arith.addi %scan3A_42, %add3A_89 : i32
      %get3A_91 = arith.index_cast %add3A_90 : i32 to index
      %get3A_92 = tpu.vector_load %arg4[%get3A_91] {strides = array<i32>} : memref<32768xi32, #tpu.memory_space<vmem>>, vector<16xi32>,
      %shift_left3A_93 = arith.constant 4 : i32
      %shift_left3A_94 = vector.broadcast %shift_left3A_93 : i32 to vector<16xi32>
      %shift_left3A_95 = arith.shli %get3A_92, %shift_left3A_94 : vector<16xi32>
      %add3A_96 = arith.addi %shift_left3A_95, %iota3A : vector<16xi32>
      tpu.vector_store_idx %arg5[%add3A_96], %broadcast_in_dim3A_34 {add = true} : memref<128xf32, #tpu.memory_space<vmem>>[vector<16xi32>], vector<16xf32>,
      %add3A_97 = arith.constant 112 : i32
      %add3A_98 = arith.addi %scan3A_42, %add3A_97 : i32
      %get3A_99 = arith.index_cast %add3A_98 : i32 to index
      %get3A_100 = tpu.vector_load %arg4[%get3A_99] {strides = array<i32>} : memref<32768xi32, #tpu.memory_space<vmem>>, vector<16xi32>,
      %shift_left3A_101 = arith.constant 4 : i32
      %shift_left3A_102 = vector.broadcast %shift_left3A_101 : i32 to vector<16xi32>
      %shift_left3A_103 = arith.shli %get3A_100, %shift_left3A_102 : vector<16xi32>
      %add3A_104 = arith.addi %shift_left3A_103, %iota3A : vector<16xi32>
      tpu.vector_store_idx %arg5[%add3A_104], %broadcast_in_dim3A_34 {add = true} : memref<128xf32, #tpu.memory_space<vmem>>[vector<16xi32>], vector<16xf32>,
      %add3A_105 = arith.constant 128 : i32
      %add3A_106 = arith.addi %scan3A_42, %add3A_105 : i32
      scf.yield %add3A_106 : i32
    }
    %scan3A_40 = arith.constant 256 : i32
    "tpu.region"() ({
      %run_scoped3A = tpu.sem_alloc : memref<!tpu.dma_semaphore, #tpu.memory_space<semaphore_mem>>
      %dma_start3A = arith.constant 0 : i32
      %dma_start3A_41 = tpu.memref_slice %arg3[%add3A, %dma_start3A] : memref<32x128xf32, #tpu.memory_space<hbm>> -> memref<1x128xf32, #tpu.memory_space<hbm>>
      %dma_start3A_42 = tpu.memref_squeeze %dma_start3A_41 : memref<1x128xf32, #tpu.memory_space<hbm>> -> memref<128xf32, #tpu.memory_space<hbm>>
      %dma_start3A_43 = arith.constant 0 : i32
      %dma_start3A_44 = tpu.memref_slice %arg3[%add3A, %dma_start3A_43] : memref<32x128xf32, #tpu.memory_space<hbm>> -> memref<1x128xf32, #tpu.memory_space<hbm>>
      %dma_start3A_45 = tpu.memref_squeeze %dma_start3A_44 : memref<1x128xf32, #tpu.memory_space<hbm>> -> memref<128xf32, #tpu.memory_space<hbm>>
      tpu.enqueue_dma source(%arg5 : memref<128xf32, #tpu.memory_space<vmem>>) target(%dma_start3A_45 : memref<128xf32, #tpu.memory_space<hbm>>) target_semaphore(%run_scoped3A : memref<!tpu.dma_semaphore, #tpu.memory_space<semaphore_mem>>)
      %dma_wait3A = arith.constant 0 : i32
      %dma_wait3A_46 = tpu.memref_slice %arg3[%add3A, %dma_wait3A] : memref<32x128xf32, #tpu.memory_space<hbm>> -> memref<1x128xf32, #tpu.memory_space<hbm>>
      %dma_wait3A_47 = tpu.memref_squeeze %dma_wait3A_46 : memref<1x128xf32, #tpu.memory_space<hbm>> -> memref<128xf32, #tpu.memory_space<hbm>>
      %dma_wait3A_48 = arith.constant 0 : i32
      %dma_wait3A_49 = tpu.memref_slice %arg3[%add3A, %dma_wait3A_48] : memref<32x128xf32, #tpu.memory_space<hbm>> -> memref<1x128xf32, #tpu.memory_space<hbm>>
      %dma_wait3A_50 = tpu.memref_squeeze %dma_wait3A_49 : memref<1x128xf32, #tpu.memory_space<hbm>> -> memref<128xf32, #tpu.memory_space<hbm>>
      tpu.wait_dma2 semaphore(%run_scoped3A : memref<!tpu.dma_semaphore, #tpu.memory_space<semaphore_mem>>) src(%arg5 : memref<128xf32, #tpu.memory_space<vmem>>) dst(%dma_wait3A_50 : memref<128xf32, #tpu.memory_space<hbm>>)
      tpu.yield
    }) : () -> ()
    return
  }
}

module attributes {stable_mosaic.version = 14 : i64} {
  func.func @_tc_body(%arg0: i32, %arg1: i32, %arg2: memref<8x128x512xf32, #tpu.memory_space<vmem>>, %arg3: memref<1x128x512xi32, #tpu.memory_space<vmem>>, %arg4: memref<1x16xf32, #tpu.memory_space<smem>>, %arg5: memref<16x8x512xf32, #tpu.memory_space<vmem>>) attributes {dimension_semantics = [#tpu.dimension_semantics<arbitrary>, #tpu.dimension_semantics<arbitrary>], iteration_bounds = array<i64: 4, 4>, scalar_prefetch = 0 : i64, scratch_operands = 1 : i64, tpu.core_type = #tpu.core_type<tc>, window_params = [{transform_indices = @transform_0, window_bounds = array<i64: 8, 128, 512>}, {transform_indices = @transform_1, window_bounds = array<i64: 1, 128, 512>}, {transform_indices = @transform_2, window_bounds = array<i64: 1, 16>}]} {
    %mul3A = arith.constant 4 : i32
    %mul3A_0 = arith.muli %arg0, %mul3A : i32
    %add3A = arith.addi %mul3A_0, %arg1 : i32
    %eq3A = arith.constant 0 : i32
    %eq3A_1 = arith.cmpi eq, %add3A, %eq3A : i32
    %convert_element_type3A = arith.extui %eq3A_1 : i1 to i32
    %cond3A = arith.constant 0 : i32
    %cond3A_2 = arith.cmpi ne, %convert_element_type3A, %cond3A : i32
    scf.if %cond3A_2 {
      %broadcast_in_dim3A_346 = arith.constant 0.000000e+00 : f32
      %broadcast_in_dim3A_347 = vector.broadcast %broadcast_in_dim3A_346 : f32 to vector<16x8x512xf32>
      %swap3A_348 = arith.constant 0 : index
      %swap3A_349 = arith.constant 0 : index
      %swap3A_350 = arith.constant 0 : index
      %swap3A_351 = vector.load %arg5[%swap3A_348, %swap3A_349, %swap3A_350] : memref<16x8x512xf32, #tpu.memory_space<vmem>>, vector<16x8x512xf32>
      tpu.vector_store %arg5[%swap3A_348, %swap3A_349, %swap3A_350], %broadcast_in_dim3A_347 {strides = array<i32>} : memref<16x8x512xf32, #tpu.memory_space<vmem>>, vector<16x8x512xf32>,
    } else {
    }
    %get3A = arith.constant 0 : index
    %get3A_3 = arith.constant 0 : index
    %get3A_4 = arith.constant 0 : index
    %get3A_5 = vector.load %arg2[%get3A, %get3A_3, %get3A_4] : memref<8x128x512xf32, #tpu.memory_space<vmem>>, vector<8x128x512xf32>
    %get3A_6 = arith.constant 0 : index
    %get3A_7 = arith.constant 0 : index
    %get3A_8 = arith.constant 0 : index
    %get3A_9 = vector.load %arg3[%get3A_6, %get3A_7, %get3A_8] : memref<1x128x512xi32, #tpu.memory_space<vmem>>, vector<1x128x512xi32>
    %get3A_10 = vector.shape_cast %get3A_9 : vector<1x128x512xi32> to vector<128x512xi32>
    %reduce_max3A = arith.constant dense<0xFF800000> : vector<128x512xf32>
    %reduce_max3A_11 = vector.multi_reduction <maximumf>, %get3A_5, %reduce_max3A [0] : vector<8x128x512xf32> to vector<128x512xf32>
    %broadcast_in_dim3A = vector.shape_cast %reduce_max3A_11 : vector<128x512xf32> to vector<1x128x512xf32>
    %sub3A = vector.broadcast %broadcast_in_dim3A : vector<1x128x512xf32> to vector<8x128x512xf32>
    %sub3A_12 = arith.subf %get3A_5, %sub3A : vector<8x128x512xf32>
    %exp3A = math.exp %sub3A_12 : vector<8x128x512xf32>
    %reduce_sum3A = arith.constant dense<0.000000e+00> : vector<128x512xf32>
    %reduce_sum3A_13 = vector.multi_reduction <add>, %exp3A, %reduce_sum3A [0] : vector<8x128x512xf32> to vector<128x512xf32>
    %div3A = arith.constant 1.000000e+00 : f32
    %div3A_14 = vector.broadcast %div3A : f32 to vector<128x512xf32>
    %div3A_15 = arith.divf %div3A_14, %reduce_sum3A_13 : vector<128x512xf32>
    %broadcast_in_dim3A_16 = arith.constant 0.000000e+00 : f32
    %broadcast_in_dim3A_17 = vector.broadcast %broadcast_in_dim3A_16 : f32 to vector<128x512xf32>
    %eq3A_18 = arith.constant 0 : i32
    %eq3A_19 = vector.broadcast %eq3A_18 : i32 to vector<128x512xi32>
    %eq3A_20 = arith.cmpi eq, %get3A_10, %eq3A_19 : vector<128x512xi32>
    %slice3A = vector.extract_strided_slice %exp3A {offsets = [0, 0, 0], sizes = [1, 128, 512], strides = [1, 1, 1]} : vector<8x128x512xf32> to vector<1x128x512xf32>
    %squeeze3A = vector.shape_cast %slice3A : vector<1x128x512xf32> to vector<128x512xf32>
    %mul3A_21 = arith.mulf %squeeze3A, %div3A_15 : vector<128x512xf32>
    %jit3A = arith.constant 0.000000e+00 : f64
    %convert_element_type3A_22 = arith.truncf %jit3A : f64 to f32
    %broadcast_in_dim3A_23 = vector.broadcast %convert_element_type3A_22 : f32 to vector<128x512xf32>
    %select_n3A = arith.select %eq3A_20, %mul3A_21, %broadcast_in_dim3A_23 : vector<128x512xi1>, vector<128x512xf32>
    %get3A_24 = arith.constant 7 : index
    %get3A_25 = arith.constant 0 : index
    %get3A_26 = arith.constant 0 : index
    %get3A_27 = vector.load %arg5[%get3A_24, %get3A_25, %get3A_26] : memref<16x8x512xf32, #tpu.memory_space<vmem>>, vector<1x8x512xf32>
    %get3A_28 = vector.shape_cast %get3A_27 : vector<1x8x512xf32> to vector<8x512xf32>
    %reshape3A = vector.shape_cast %select_n3A : vector<128x512xf32> to vector<16x8x512xf32>
    %reduce_sum3A_29 = arith.constant dense<0.000000e+00> : vector<8x512xf32>
    %reduce_sum3A_30 = vector.multi_reduction <add>, %reshape3A, %reduce_sum3A_29 [0] : vector<16x8x512xf32> to vector<8x512xf32>
    %add3A_31 = arith.addf %get3A_28, %reduce_sum3A_30 : vector<8x512xf32>
    %swap3A = arith.constant 7 : index
    %swap3A_32 = arith.constant 0 : index
    %swap3A_33 = arith.constant 0 : index
    %swap3A_34 = vector.load %arg5[%swap3A, %swap3A_32, %swap3A_33] : memref<16x8x512xf32, #tpu.memory_space<vmem>>, vector<1x8x512xf32>
    %swap3A_35 = vector.shape_cast %swap3A_34 : vector<1x8x512xf32> to vector<8x512xf32>
    %swap3A_36 = vector.shape_cast %add3A_31 : vector<8x512xf32> to vector<1x8x512xf32>
    tpu.vector_store %arg5[%swap3A, %swap3A_32, %swap3A_33], %swap3A_36 {strides = array<i32>} : memref<16x8x512xf32, #tpu.memory_space<vmem>>, vector<1x8x512xf32>,
    %select_n3A_37 = arith.select %eq3A_20, %mul3A_21, %broadcast_in_dim3A_17 : vector<128x512xi1>, vector<128x512xf32>
    %eq3A_38 = arith.constant 1 : i32
    %eq3A_39 = vector.broadcast %eq3A_38 : i32 to vector<128x512xi32>
    %eq3A_40 = arith.cmpi eq, %get3A_10, %eq3A_39 : vector<128x512xi32>
    %slice3A_41 = vector.extract_strided_slice %exp3A {offsets = [1, 0, 0], sizes = [1, 128, 512], strides = [1, 1, 1]} : vector<8x128x512xf32> to vector<1x128x512xf32>
    %squeeze3A_42 = vector.shape_cast %slice3A_41 : vector<1x128x512xf32> to vector<128x512xf32>
    %mul3A_43 = arith.mulf %squeeze3A_42, %div3A_15 : vector<128x512xf32>
    %jit3A_44 = arith.constant 0.000000e+00 : f64
    %convert_element_type3A_45 = arith.truncf %jit3A_44 : f64 to f32
    %broadcast_in_dim3A_46 = vector.broadcast %convert_element_type3A_45 : f32 to vector<128x512xf32>
    %select_n3A_47 = arith.select %eq3A_40, %mul3A_43, %broadcast_in_dim3A_46 : vector<128x512xi1>, vector<128x512xf32>
    %get3A_48 = arith.constant 8 : index
    %get3A_49 = arith.constant 0 : index
    %get3A_50 = arith.constant 0 : index
    %get3A_51 = vector.load %arg5[%get3A_48, %get3A_49, %get3A_50] : memref<16x8x512xf32, #tpu.memory_space<vmem>>, vector<1x8x512xf32>
    %get3A_52 = vector.shape_cast %get3A_51 : vector<1x8x512xf32> to vector<8x512xf32>
    %reshape3A_53 = vector.shape_cast %select_n3A_47 : vector<128x512xf32> to vector<16x8x512xf32>
    %reduce_sum3A_54 = arith.constant dense<0.000000e+00> : vector<8x512xf32>
    %reduce_sum3A_55 = vector.multi_reduction <add>, %reshape3A_53, %reduce_sum3A_54 [0] : vector<16x8x512xf32> to vector<8x512xf32>
    %add3A_56 = arith.addf %get3A_52, %reduce_sum3A_55 : vector<8x512xf32>
    %swap3A_57 = arith.constant 8 : index
    %swap3A_58 = arith.constant 0 : index
    %swap3A_59 = arith.constant 0 : index
    %swap3A_60 = vector.load %arg5[%swap3A_57, %swap3A_58, %swap3A_59] : memref<16x8x512xf32, #tpu.memory_space<vmem>>, vector<1x8x512xf32>
    %swap3A_61 = vector.shape_cast %swap3A_60 : vector<1x8x512xf32> to vector<8x512xf32>
    %swap3A_62 = vector.shape_cast %add3A_56 : vector<8x512xf32> to vector<1x8x512xf32>
    tpu.vector_store %arg5[%swap3A_57, %swap3A_58, %swap3A_59], %swap3A_62 {strides = array<i32>} : memref<16x8x512xf32, #tpu.memory_space<vmem>>, vector<1x8x512xf32>,
    %select_n3A_63 = arith.select %eq3A_40, %mul3A_43, %select_n3A_37 : vector<128x512xi1>, vector<128x512xf32>
    %get3A_64 = arith.constant 0 : index
    %get3A_65 = arith.constant 0 : index
    %get3A_66 = arith.constant 0 : index
    %get3A_67 = vector.load %arg5[%get3A_64, %get3A_65, %get3A_66] : memref<16x8x512xf32, #tpu.memory_space<vmem>>, vector<1x8x512xf32>
    %get3A_68 = vector.shape_cast %get3A_67 : vector<1x8x512xf32> to vector<8x512xf32>
    %reshape3A_69 = vector.shape_cast %mul3A_43 : vector<128x512xf32> to vector<16x8x512xf32>
    %reduce_sum3A_70 = arith.constant dense<0.000000e+00> : vector<8x512xf32>
    %reduce_sum3A_71 = vector.multi_reduction <add>, %reshape3A_69, %reduce_sum3A_70 [0] : vector<16x8x512xf32> to vector<8x512xf32>
    %add3A_72 = arith.addf %get3A_68, %reduce_sum3A_71 : vector<8x512xf32>
    %swap3A_73 = arith.constant 0 : index
    %swap3A_74 = arith.constant 0 : index
    %swap3A_75 = arith.constant 0 : index
    %swap3A_76 = vector.load %arg5[%swap3A_73, %swap3A_74, %swap3A_75] : memref<16x8x512xf32, #tpu.memory_space<vmem>>, vector<1x8x512xf32>
    %swap3A_77 = vector.shape_cast %swap3A_76 : vector<1x8x512xf32> to vector<8x512xf32>
    %swap3A_78 = vector.shape_cast %add3A_72 : vector<8x512xf32> to vector<1x8x512xf32>
    tpu.vector_store %arg5[%swap3A_73, %swap3A_74, %swap3A_75], %swap3A_78 {strides = array<i32>} : memref<16x8x512xf32, #tpu.memory_space<vmem>>, vector<1x8x512xf32>,
    %eq3A_79 = arith.constant 2 : i32
    %eq3A_80 = vector.broadcast %eq3A_79 : i32 to vector<128x512xi32>
    %eq3A_81 = arith.cmpi eq, %get3A_10, %eq3A_80 : vector<128x512xi32>
    %slice3A_82 = vector.extract_strided_slice %exp3A {offsets = [2, 0, 0], sizes = [1, 128, 512], strides = [1, 1, 1]} : vector<8x128x512xf32> to vector<1x128x512xf32>
    %squeeze3A_83 = vector.shape_cast %slice3A_82 : vector<1x128x512xf32> to vector<128x512xf32>
    %mul3A_84 = arith.mulf %squeeze3A_83, %div3A_15 : vector<128x512xf32>
    %jit3A_85 = arith.constant 0.000000e+00 : f64
    %convert_element_type3A_86 = arith.truncf %jit3A_85 : f64 to f32
    %broadcast_in_dim3A_87 = vector.broadcast %convert_element_type3A_86 : f32 to vector<128x512xf32>
    %select_n3A_88 = arith.select %eq3A_81, %mul3A_84, %broadcast_in_dim3A_87 : vector<128x512xi1>, vector<128x512xf32>
    %get3A_89 = arith.constant 9 : index
    %get3A_90 = arith.constant 0 : index
    %get3A_91 = arith.constant 0 : index
    %get3A_92 = vector.load %arg5[%get3A_89, %get3A_90, %get3A_91] : memref<16x8x512xf32, #tpu.memory_space<vmem>>, vector<1x8x512xf32>
    %get3A_93 = vector.shape_cast %get3A_92 : vector<1x8x512xf32> to vector<8x512xf32>
    %reshape3A_94 = vector.shape_cast %select_n3A_88 : vector<128x512xf32> to vector<16x8x512xf32>
    %reduce_sum3A_95 = arith.constant dense<0.000000e+00> : vector<8x512xf32>
    %reduce_sum3A_96 = vector.multi_reduction <add>, %reshape3A_94, %reduce_sum3A_95 [0] : vector<16x8x512xf32> to vector<8x512xf32>
    %add3A_97 = arith.addf %get3A_93, %reduce_sum3A_96 : vector<8x512xf32>
    %swap3A_98 = arith.constant 9 : index
    %swap3A_99 = arith.constant 0 : index
    %swap3A_100 = arith.constant 0 : index
    %swap3A_101 = vector.load %arg5[%swap3A_98, %swap3A_99, %swap3A_100] : memref<16x8x512xf32, #tpu.memory_space<vmem>>, vector<1x8x512xf32>
    %swap3A_102 = vector.shape_cast %swap3A_101 : vector<1x8x512xf32> to vector<8x512xf32>
    %swap3A_103 = vector.shape_cast %add3A_97 : vector<8x512xf32> to vector<1x8x512xf32>
    tpu.vector_store %arg5[%swap3A_98, %swap3A_99, %swap3A_100], %swap3A_103 {strides = array<i32>} : memref<16x8x512xf32, #tpu.memory_space<vmem>>, vector<1x8x512xf32>,
    %select_n3A_104 = arith.select %eq3A_81, %mul3A_84, %select_n3A_63 : vector<128x512xi1>, vector<128x512xf32>
    %get3A_105 = arith.constant 1 : index
    %get3A_106 = arith.constant 0 : index
    %get3A_107 = arith.constant 0 : index
    %get3A_108 = vector.load %arg5[%get3A_105, %get3A_106, %get3A_107] : memref<16x8x512xf32, #tpu.memory_space<vmem>>, vector<1x8x512xf32>
    %get3A_109 = vector.shape_cast %get3A_108 : vector<1x8x512xf32> to vector<8x512xf32>
    %reshape3A_110 = vector.shape_cast %mul3A_84 : vector<128x512xf32> to vector<16x8x512xf32>
    %reduce_sum3A_111 = arith.constant dense<0.000000e+00> : vector<8x512xf32>
    %reduce_sum3A_112 = vector.multi_reduction <add>, %reshape3A_110, %reduce_sum3A_111 [0] : vector<16x8x512xf32> to vector<8x512xf32>
    %add3A_113 = arith.addf %get3A_109, %reduce_sum3A_112 : vector<8x512xf32>
    %swap3A_114 = arith.constant 1 : index
    %swap3A_115 = arith.constant 0 : index
    %swap3A_116 = arith.constant 0 : index
    %swap3A_117 = vector.load %arg5[%swap3A_114, %swap3A_115, %swap3A_116] : memref<16x8x512xf32, #tpu.memory_space<vmem>>, vector<1x8x512xf32>
    %swap3A_118 = vector.shape_cast %swap3A_117 : vector<1x8x512xf32> to vector<8x512xf32>
    %swap3A_119 = vector.shape_cast %add3A_113 : vector<8x512xf32> to vector<1x8x512xf32>
    tpu.vector_store %arg5[%swap3A_114, %swap3A_115, %swap3A_116], %swap3A_119 {strides = array<i32>} : memref<16x8x512xf32, #tpu.memory_space<vmem>>, vector<1x8x512xf32>,
    %eq3A_120 = arith.constant 3 : i32
    %eq3A_121 = vector.broadcast %eq3A_120 : i32 to vector<128x512xi32>
    %eq3A_122 = arith.cmpi eq, %get3A_10, %eq3A_121 : vector<128x512xi32>
    %slice3A_123 = vector.extract_strided_slice %exp3A {offsets = [3, 0, 0], sizes = [1, 128, 512], strides = [1, 1, 1]} : vector<8x128x512xf32> to vector<1x128x512xf32>
    %squeeze3A_124 = vector.shape_cast %slice3A_123 : vector<1x128x512xf32> to vector<128x512xf32>
    %mul3A_125 = arith.mulf %squeeze3A_124, %div3A_15 : vector<128x512xf32>
    %jit3A_126 = arith.constant 0.000000e+00 : f64
    %convert_element_type3A_127 = arith.truncf %jit3A_126 : f64 to f32
    %broadcast_in_dim3A_128 = vector.broadcast %convert_element_type3A_127 : f32 to vector<128x512xf32>
    %select_n3A_129 = arith.select %eq3A_122, %mul3A_125, %broadcast_in_dim3A_128 : vector<128x512xi1>, vector<128x512xf32>
    %get3A_130 = arith.constant 10 : index
    %get3A_131 = arith.constant 0 : index
    %get3A_132 = arith.constant 0 : index
    %get3A_133 = vector.load %arg5[%get3A_130, %get3A_131, %get3A_132] : memref<16x8x512xf32, #tpu.memory_space<vmem>>, vector<1x8x512xf32>
    %get3A_134 = vector.shape_cast %get3A_133 : vector<1x8x512xf32> to vector<8x512xf32>
    %reshape3A_135 = vector.shape_cast %select_n3A_129 : vector<128x512xf32> to vector<16x8x512xf32>
    %reduce_sum3A_136 = arith.constant dense<0.000000e+00> : vector<8x512xf32>
    %reduce_sum3A_137 = vector.multi_reduction <add>, %reshape3A_135, %reduce_sum3A_136 [0] : vector<16x8x512xf32> to vector<8x512xf32>
    %add3A_138 = arith.addf %get3A_134, %reduce_sum3A_137 : vector<8x512xf32>
    %swap3A_139 = arith.constant 10 : index
    %swap3A_140 = arith.constant 0 : index
    %swap3A_141 = arith.constant 0 : index
    %swap3A_142 = vector.load %arg5[%swap3A_139, %swap3A_140, %swap3A_141] : memref<16x8x512xf32, #tpu.memory_space<vmem>>, vector<1x8x512xf32>
    %swap3A_143 = vector.shape_cast %swap3A_142 : vector<1x8x512xf32> to vector<8x512xf32>
    %swap3A_144 = vector.shape_cast %add3A_138 : vector<8x512xf32> to vector<1x8x512xf32>
    tpu.vector_store %arg5[%swap3A_139, %swap3A_140, %swap3A_141], %swap3A_144 {strides = array<i32>} : memref<16x8x512xf32, #tpu.memory_space<vmem>>, vector<1x8x512xf32>,
    %select_n3A_145 = arith.select %eq3A_122, %mul3A_125, %select_n3A_104 : vector<128x512xi1>, vector<128x512xf32>
    %get3A_146 = arith.constant 2 : index
    %get3A_147 = arith.constant 0 : index
    %get3A_148 = arith.constant 0 : index
    %get3A_149 = vector.load %arg5[%get3A_146, %get3A_147, %get3A_148] : memref<16x8x512xf32, #tpu.memory_space<vmem>>, vector<1x8x512xf32>
    %get3A_150 = vector.shape_cast %get3A_149 : vector<1x8x512xf32> to vector<8x512xf32>
    %reshape3A_151 = vector.shape_cast %mul3A_125 : vector<128x512xf32> to vector<16x8x512xf32>
    %reduce_sum3A_152 = arith.constant dense<0.000000e+00> : vector<8x512xf32>
    %reduce_sum3A_153 = vector.multi_reduction <add>, %reshape3A_151, %reduce_sum3A_152 [0] : vector<16x8x512xf32> to vector<8x512xf32>
    %add3A_154 = arith.addf %get3A_150, %reduce_sum3A_153 : vector<8x512xf32>
    %swap3A_155 = arith.constant 2 : index
    %swap3A_156 = arith.constant 0 : index
    %swap3A_157 = arith.constant 0 : index
    %swap3A_158 = vector.load %arg5[%swap3A_155, %swap3A_156, %swap3A_157] : memref<16x8x512xf32, #tpu.memory_space<vmem>>, vector<1x8x512xf32>
    %swap3A_159 = vector.shape_cast %swap3A_158 : vector<1x8x512xf32> to vector<8x512xf32>
    %swap3A_160 = vector.shape_cast %add3A_154 : vector<8x512xf32> to vector<1x8x512xf32>
    tpu.vector_store %arg5[%swap3A_155, %swap3A_156, %swap3A_157], %swap3A_160 {strides = array<i32>} : memref<16x8x512xf32, #tpu.memory_space<vmem>>, vector<1x8x512xf32>,
    %eq3A_161 = arith.constant 4 : i32
    %eq3A_162 = vector.broadcast %eq3A_161 : i32 to vector<128x512xi32>
    %eq3A_163 = arith.cmpi eq, %get3A_10, %eq3A_162 : vector<128x512xi32>
    %slice3A_164 = vector.extract_strided_slice %exp3A {offsets = [4, 0, 0], sizes = [1, 128, 512], strides = [1, 1, 1]} : vector<8x128x512xf32> to vector<1x128x512xf32>
    %squeeze3A_165 = vector.shape_cast %slice3A_164 : vector<1x128x512xf32> to vector<128x512xf32>
    %mul3A_166 = arith.mulf %squeeze3A_165, %div3A_15 : vector<128x512xf32>
    %jit3A_167 = arith.constant 0.000000e+00 : f64
    %convert_element_type3A_168 = arith.truncf %jit3A_167 : f64 to f32
    %broadcast_in_dim3A_169 = vector.broadcast %convert_element_type3A_168 : f32 to vector<128x512xf32>
    %select_n3A_170 = arith.select %eq3A_163, %mul3A_166, %broadcast_in_dim3A_169 : vector<128x512xi1>, vector<128x512xf32>
    %get3A_171 = arith.constant 11 : index
    %get3A_172 = arith.constant 0 : index
    %get3A_173 = arith.constant 0 : index
    %get3A_174 = vector.load %arg5[%get3A_171, %get3A_172, %get3A_173] : memref<16x8x512xf32, #tpu.memory_space<vmem>>, vector<1x8x512xf32>
    %get3A_175 = vector.shape_cast %get3A_174 : vector<1x8x512xf32> to vector<8x512xf32>
    %reshape3A_176 = vector.shape_cast %select_n3A_170 : vector<128x512xf32> to vector<16x8x512xf32>
    %reduce_sum3A_177 = arith.constant dense<0.000000e+00> : vector<8x512xf32>
    %reduce_sum3A_178 = vector.multi_reduction <add>, %reshape3A_176, %reduce_sum3A_177 [0] : vector<16x8x512xf32> to vector<8x512xf32>
    %add3A_179 = arith.addf %get3A_175, %reduce_sum3A_178 : vector<8x512xf32>
    %swap3A_180 = arith.constant 11 : index
    %swap3A_181 = arith.constant 0 : index
    %swap3A_182 = arith.constant 0 : index
    %swap3A_183 = vector.load %arg5[%swap3A_180, %swap3A_181, %swap3A_182] : memref<16x8x512xf32, #tpu.memory_space<vmem>>, vector<1x8x512xf32>
    %swap3A_184 = vector.shape_cast %swap3A_183 : vector<1x8x512xf32> to vector<8x512xf32>
    %swap3A_185 = vector.shape_cast %add3A_179 : vector<8x512xf32> to vector<1x8x512xf32>
    tpu.vector_store %arg5[%swap3A_180, %swap3A_181, %swap3A_182], %swap3A_185 {strides = array<i32>} : memref<16x8x512xf32, #tpu.memory_space<vmem>>, vector<1x8x512xf32>,
    %select_n3A_186 = arith.select %eq3A_163, %mul3A_166, %select_n3A_145 : vector<128x512xi1>, vector<128x512xf32>
    %get3A_187 = arith.constant 3 : index
    %get3A_188 = arith.constant 0 : index
    %get3A_189 = arith.constant 0 : index
    %get3A_190 = vector.load %arg5[%get3A_187, %get3A_188, %get3A_189] : memref<16x8x512xf32, #tpu.memory_space<vmem>>, vector<1x8x512xf32>
    %get3A_191 = vector.shape_cast %get3A_190 : vector<1x8x512xf32> to vector<8x512xf32>
    %reshape3A_192 = vector.shape_cast %mul3A_166 : vector<128x512xf32> to vector<16x8x512xf32>
    %reduce_sum3A_193 = arith.constant dense<0.000000e+00> : vector<8x512xf32>
    %reduce_sum3A_194 = vector.multi_reduction <add>, %reshape3A_192, %reduce_sum3A_193 [0] : vector<16x8x512xf32> to vector<8x512xf32>
    %add3A_195 = arith.addf %get3A_191, %reduce_sum3A_194 : vector<8x512xf32>
    %swap3A_196 = arith.constant 3 : index
    %swap3A_197 = arith.constant 0 : index
    %swap3A_198 = arith.constant 0 : index
    %swap3A_199 = vector.load %arg5[%swap3A_196, %swap3A_197, %swap3A_198] : memref<16x8x512xf32, #tpu.memory_space<vmem>>, vector<1x8x512xf32>
    %swap3A_200 = vector.shape_cast %swap3A_199 : vector<1x8x512xf32> to vector<8x512xf32>
    %swap3A_201 = vector.shape_cast %add3A_195 : vector<8x512xf32> to vector<1x8x512xf32>
    tpu.vector_store %arg5[%swap3A_196, %swap3A_197, %swap3A_198], %swap3A_201 {strides = array<i32>} : memref<16x8x512xf32, #tpu.memory_space<vmem>>, vector<1x8x512xf32>,
    %eq3A_202 = arith.constant 5 : i32
    %eq3A_203 = vector.broadcast %eq3A_202 : i32 to vector<128x512xi32>
    %eq3A_204 = arith.cmpi eq, %get3A_10, %eq3A_203 : vector<128x512xi32>
    %slice3A_205 = vector.extract_strided_slice %exp3A {offsets = [5, 0, 0], sizes = [1, 128, 512], strides = [1, 1, 1]} : vector<8x128x512xf32> to vector<1x128x512xf32>
    %squeeze3A_206 = vector.shape_cast %slice3A_205 : vector<1x128x512xf32> to vector<128x512xf32>
    %mul3A_207 = arith.mulf %squeeze3A_206, %div3A_15 : vector<128x512xf32>
    %jit3A_208 = arith.constant 0.000000e+00 : f64
    %convert_element_type3A_209 = arith.truncf %jit3A_208 : f64 to f32
    %broadcast_in_dim3A_210 = vector.broadcast %convert_element_type3A_209 : f32 to vector<128x512xf32>
    %select_n3A_211 = arith.select %eq3A_204, %mul3A_207, %broadcast_in_dim3A_210 : vector<128x512xi1>, vector<128x512xf32>
    %get3A_212 = arith.constant 12 : index
    %get3A_213 = arith.constant 0 : index
    %get3A_214 = arith.constant 0 : index
    %get3A_215 = vector.load %arg5[%get3A_212, %get3A_213, %get3A_214] : memref<16x8x512xf32, #tpu.memory_space<vmem>>, vector<1x8x512xf32>
    %get3A_216 = vector.shape_cast %get3A_215 : vector<1x8x512xf32> to vector<8x512xf32>
    %reshape3A_217 = vector.shape_cast %select_n3A_211 : vector<128x512xf32> to vector<16x8x512xf32>
    %reduce_sum3A_218 = arith.constant dense<0.000000e+00> : vector<8x512xf32>
    %reduce_sum3A_219 = vector.multi_reduction <add>, %reshape3A_217, %reduce_sum3A_218 [0] : vector<16x8x512xf32> to vector<8x512xf32>
    %add3A_220 = arith.addf %get3A_216, %reduce_sum3A_219 : vector<8x512xf32>
    %swap3A_221 = arith.constant 12 : index
    %swap3A_222 = arith.constant 0 : index
    %swap3A_223 = arith.constant 0 : index
    %swap3A_224 = vector.load %arg5[%swap3A_221, %swap3A_222, %swap3A_223] : memref<16x8x512xf32, #tpu.memory_space<vmem>>, vector<1x8x512xf32>
    %swap3A_225 = vector.shape_cast %swap3A_224 : vector<1x8x512xf32> to vector<8x512xf32>
    %swap3A_226 = vector.shape_cast %add3A_220 : vector<8x512xf32> to vector<1x8x512xf32>
    tpu.vector_store %arg5[%swap3A_221, %swap3A_222, %swap3A_223], %swap3A_226 {strides = array<i32>} : memref<16x8x512xf32, #tpu.memory_space<vmem>>, vector<1x8x512xf32>,
    %select_n3A_227 = arith.select %eq3A_204, %mul3A_207, %select_n3A_186 : vector<128x512xi1>, vector<128x512xf32>
    %get3A_228 = arith.constant 4 : index
    %get3A_229 = arith.constant 0 : index
    %get3A_230 = arith.constant 0 : index
    %get3A_231 = vector.load %arg5[%get3A_228, %get3A_229, %get3A_230] : memref<16x8x512xf32, #tpu.memory_space<vmem>>, vector<1x8x512xf32>
    %get3A_232 = vector.shape_cast %get3A_231 : vector<1x8x512xf32> to vector<8x512xf32>
    %reshape3A_233 = vector.shape_cast %mul3A_207 : vector<128x512xf32> to vector<16x8x512xf32>
    %reduce_sum3A_234 = arith.constant dense<0.000000e+00> : vector<8x512xf32>
    %reduce_sum3A_235 = vector.multi_reduction <add>, %reshape3A_233, %reduce_sum3A_234 [0] : vector<16x8x512xf32> to vector<8x512xf32>
    %add3A_236 = arith.addf %get3A_232, %reduce_sum3A_235 : vector<8x512xf32>
    %swap3A_237 = arith.constant 4 : index
    %swap3A_238 = arith.constant 0 : index
    %swap3A_239 = arith.constant 0 : index
    %swap3A_240 = vector.load %arg5[%swap3A_237, %swap3A_238, %swap3A_239] : memref<16x8x512xf32, #tpu.memory_space<vmem>>, vector<1x8x512xf32>
    %swap3A_241 = vector.shape_cast %swap3A_240 : vector<1x8x512xf32> to vector<8x512xf32>
    %swap3A_242 = vector.shape_cast %add3A_236 : vector<8x512xf32> to vector<1x8x512xf32>
    tpu.vector_store %arg5[%swap3A_237, %swap3A_238, %swap3A_239], %swap3A_242 {strides = array<i32>} : memref<16x8x512xf32, #tpu.memory_space<vmem>>, vector<1x8x512xf32>,
    %eq3A_243 = arith.constant 6 : i32
    %eq3A_244 = vector.broadcast %eq3A_243 : i32 to vector<128x512xi32>
    %eq3A_245 = arith.cmpi eq, %get3A_10, %eq3A_244 : vector<128x512xi32>
    %slice3A_246 = vector.extract_strided_slice %exp3A {offsets = [6, 0, 0], sizes = [1, 128, 512], strides = [1, 1, 1]} : vector<8x128x512xf32> to vector<1x128x512xf32>
    %squeeze3A_247 = vector.shape_cast %slice3A_246 : vector<1x128x512xf32> to vector<128x512xf32>
    %mul3A_248 = arith.mulf %squeeze3A_247, %div3A_15 : vector<128x512xf32>
    %jit3A_249 = arith.constant 0.000000e+00 : f64
    %convert_element_type3A_250 = arith.truncf %jit3A_249 : f64 to f32
    %broadcast_in_dim3A_251 = vector.broadcast %convert_element_type3A_250 : f32 to vector<128x512xf32>
    %select_n3A_252 = arith.select %eq3A_245, %mul3A_248, %broadcast_in_dim3A_251 : vector<128x512xi1>, vector<128x512xf32>
    %get3A_253 = arith.constant 13 : index
    %get3A_254 = arith.constant 0 : index
    %get3A_255 = arith.constant 0 : index
    %get3A_256 = vector.load %arg5[%get3A_253, %get3A_254, %get3A_255] : memref<16x8x512xf32, #tpu.memory_space<vmem>>, vector<1x8x512xf32>
    %get3A_257 = vector.shape_cast %get3A_256 : vector<1x8x512xf32> to vector<8x512xf32>
    %reshape3A_258 = vector.shape_cast %select_n3A_252 : vector<128x512xf32> to vector<16x8x512xf32>
    %reduce_sum3A_259 = arith.constant dense<0.000000e+00> : vector<8x512xf32>
    %reduce_sum3A_260 = vector.multi_reduction <add>, %reshape3A_258, %reduce_sum3A_259 [0] : vector<16x8x512xf32> to vector<8x512xf32>
    %add3A_261 = arith.addf %get3A_257, %reduce_sum3A_260 : vector<8x512xf32>
    %swap3A_262 = arith.constant 13 : index
    %swap3A_263 = arith.constant 0 : index
    %swap3A_264 = arith.constant 0 : index
    %swap3A_265 = vector.load %arg5[%swap3A_262, %swap3A_263, %swap3A_264] : memref<16x8x512xf32, #tpu.memory_space<vmem>>, vector<1x8x512xf32>
    %swap3A_266 = vector.shape_cast %swap3A_265 : vector<1x8x512xf32> to vector<8x512xf32>
    %swap3A_267 = vector.shape_cast %add3A_261 : vector<8x512xf32> to vector<1x8x512xf32>
    tpu.vector_store %arg5[%swap3A_262, %swap3A_263, %swap3A_264], %swap3A_267 {strides = array<i32>} : memref<16x8x512xf32, #tpu.memory_space<vmem>>, vector<1x8x512xf32>,
    %select_n3A_268 = arith.select %eq3A_245, %mul3A_248, %select_n3A_227 : vector<128x512xi1>, vector<128x512xf32>
    %get3A_269 = arith.constant 5 : index
    %get3A_270 = arith.constant 0 : index
    %get3A_271 = arith.constant 0 : index
    %get3A_272 = vector.load %arg5[%get3A_269, %get3A_270, %get3A_271] : memref<16x8x512xf32, #tpu.memory_space<vmem>>, vector<1x8x512xf32>
    %get3A_273 = vector.shape_cast %get3A_272 : vector<1x8x512xf32> to vector<8x512xf32>
    %reshape3A_274 = vector.shape_cast %mul3A_248 : vector<128x512xf32> to vector<16x8x512xf32>
    %reduce_sum3A_275 = arith.constant dense<0.000000e+00> : vector<8x512xf32>
    %reduce_sum3A_276 = vector.multi_reduction <add>, %reshape3A_274, %reduce_sum3A_275 [0] : vector<16x8x512xf32> to vector<8x512xf32>
    %add3A_277 = arith.addf %get3A_273, %reduce_sum3A_276 : vector<8x512xf32>
    %swap3A_278 = arith.constant 5 : index
    %swap3A_279 = arith.constant 0 : index
    %swap3A_280 = arith.constant 0 : index
    %swap3A_281 = vector.load %arg5[%swap3A_278, %swap3A_279, %swap3A_280] : memref<16x8x512xf32, #tpu.memory_space<vmem>>, vector<1x8x512xf32>
    %swap3A_282 = vector.shape_cast %swap3A_281 : vector<1x8x512xf32> to vector<8x512xf32>
    %swap3A_283 = vector.shape_cast %add3A_277 : vector<8x512xf32> to vector<1x8x512xf32>
    tpu.vector_store %arg5[%swap3A_278, %swap3A_279, %swap3A_280], %swap3A_283 {strides = array<i32>} : memref<16x8x512xf32, #tpu.memory_space<vmem>>, vector<1x8x512xf32>,
    %eq3A_284 = arith.constant 7 : i32
    %eq3A_285 = vector.broadcast %eq3A_284 : i32 to vector<128x512xi32>
    %eq3A_286 = arith.cmpi eq, %get3A_10, %eq3A_285 : vector<128x512xi32>
    %slice3A_287 = vector.extract_strided_slice %exp3A {offsets = [7, 0, 0], sizes = [1, 128, 512], strides = [1, 1, 1]} : vector<8x128x512xf32> to vector<1x128x512xf32>
    %squeeze3A_288 = vector.shape_cast %slice3A_287 : vector<1x128x512xf32> to vector<128x512xf32>
    %mul3A_289 = arith.mulf %squeeze3A_288, %div3A_15 : vector<128x512xf32>
    %select_n3A_290 = arith.select %eq3A_286, %mul3A_289, %select_n3A_268 : vector<128x512xi1>, vector<128x512xf32>
    %get3A_291 = arith.constant 6 : index
    %get3A_292 = arith.constant 0 : index
    %get3A_293 = arith.constant 0 : index
    %get3A_294 = vector.load %arg5[%get3A_291, %get3A_292, %get3A_293] : memref<16x8x512xf32, #tpu.memory_space<vmem>>, vector<1x8x512xf32>
    %get3A_295 = vector.shape_cast %get3A_294 : vector<1x8x512xf32> to vector<8x512xf32>
    %reshape3A_296 = vector.shape_cast %mul3A_289 : vector<128x512xf32> to vector<16x8x512xf32>
    %reduce_sum3A_297 = arith.constant dense<0.000000e+00> : vector<8x512xf32>
    %reduce_sum3A_298 = vector.multi_reduction <add>, %reshape3A_296, %reduce_sum3A_297 [0] : vector<16x8x512xf32> to vector<8x512xf32>
    %add3A_299 = arith.addf %get3A_295, %reduce_sum3A_298 : vector<8x512xf32>
    %swap3A_300 = arith.constant 6 : index
    %swap3A_301 = arith.constant 0 : index
    %swap3A_302 = arith.constant 0 : index
    %swap3A_303 = vector.load %arg5[%swap3A_300, %swap3A_301, %swap3A_302] : memref<16x8x512xf32, #tpu.memory_space<vmem>>, vector<1x8x512xf32>
    %swap3A_304 = vector.shape_cast %swap3A_303 : vector<1x8x512xf32> to vector<8x512xf32>
    %swap3A_305 = vector.shape_cast %add3A_299 : vector<8x512xf32> to vector<1x8x512xf32>
    tpu.vector_store %arg5[%swap3A_300, %swap3A_301, %swap3A_302], %swap3A_305 {strides = array<i32>} : memref<16x8x512xf32, #tpu.memory_space<vmem>>, vector<1x8x512xf32>,
    %get3A_306 = arith.constant 14 : index
    %get3A_307 = arith.constant 0 : index
    %get3A_308 = arith.constant 0 : index
    %get3A_309 = vector.load %arg5[%get3A_306, %get3A_307, %get3A_308] : memref<16x8x512xf32, #tpu.memory_space<vmem>>, vector<1x8x512xf32>
    %get3A_310 = vector.shape_cast %get3A_309 : vector<1x8x512xf32> to vector<8x512xf32>
    %reshape3A_311 = vector.shape_cast %select_n3A_290 : vector<128x512xf32> to vector<16x8x512xf32>
    %reduce_sum3A_312 = arith.constant dense<0.000000e+00> : vector<8x512xf32>
    %reduce_sum3A_313 = vector.multi_reduction <add>, %reshape3A_311, %reduce_sum3A_312 [0] : vector<16x8x512xf32> to vector<8x512xf32>
    %add3A_314 = arith.addf %get3A_310, %reduce_sum3A_313 : vector<8x512xf32>
    %swap3A_315 = arith.constant 14 : index
    %swap3A_316 = arith.constant 0 : index
    %swap3A_317 = arith.constant 0 : index
    %swap3A_318 = vector.load %arg5[%swap3A_315, %swap3A_316, %swap3A_317] : memref<16x8x512xf32, #tpu.memory_space<vmem>>, vector<1x8x512xf32>
    %swap3A_319 = vector.shape_cast %swap3A_318 : vector<1x8x512xf32> to vector<8x512xf32>
    %swap3A_320 = vector.shape_cast %add3A_314 : vector<8x512xf32> to vector<1x8x512xf32>
    tpu.vector_store %arg5[%swap3A_315, %swap3A_316, %swap3A_317], %swap3A_320 {strides = array<i32>} : memref<16x8x512xf32, #tpu.memory_space<vmem>>, vector<1x8x512xf32>,
    %sub3A_321 = arith.constant 1.000000e+00 : f32
    %sub3A_322 = vector.broadcast %sub3A_321 : f32 to vector<128x512xf32>
    %sub3A_323 = arith.subf %sub3A_322, %select_n3A_290 : vector<128x512xf32>
    %mul3A_324 = arith.mulf %sub3A_323, %sub3A_323 : vector<128x512xf32>
    %log3A = math.log %select_n3A_290 : vector<128x512xf32>
    %mul3A_325 = arith.mulf %mul3A_324, %log3A : vector<128x512xf32>
    %get3A_326 = arith.constant 15 : index
    %get3A_327 = arith.constant 0 : index
    %get3A_328 = arith.constant 0 : index
    %get3A_329 = vector.load %arg5[%get3A_326, %get3A_327, %get3A_328] : memref<16x8x512xf32, #tpu.memory_space<vmem>>, vector<1x8x512xf32>
    %get3A_330 = vector.shape_cast %get3A_329 : vector<1x8x512xf32> to vector<8x512xf32>
    %reshape3A_331 = vector.shape_cast %mul3A_325 : vector<128x512xf32> to vector<16x8x512xf32>
    %reduce_sum3A_332 = arith.constant dense<0.000000e+00> : vector<8x512xf32>
    %reduce_sum3A_333 = vector.multi_reduction <add>, %reshape3A_331, %reduce_sum3A_332 [0] : vector<16x8x512xf32> to vector<8x512xf32>
    %add3A_334 = arith.addf %get3A_330, %reduce_sum3A_333 : vector<8x512xf32>
    %swap3A_335 = arith.constant 15 : index
    %swap3A_336 = arith.constant 0 : index
    %swap3A_337 = arith.constant 0 : index
    %swap3A_338 = vector.load %arg5[%swap3A_335, %swap3A_336, %swap3A_337] : memref<16x8x512xf32, #tpu.memory_space<vmem>>, vector<1x8x512xf32>
    %swap3A_339 = vector.shape_cast %swap3A_338 : vector<1x8x512xf32> to vector<8x512xf32>
    %swap3A_340 = vector.shape_cast %add3A_334 : vector<8x512xf32> to vector<1x8x512xf32>
    tpu.vector_store %arg5[%swap3A_335, %swap3A_336, %swap3A_337], %swap3A_340 {strides = array<i32>} : memref<16x8x512xf32, #tpu.memory_space<vmem>>, vector<1x8x512xf32>,
    %eq3A_341 = arith.constant 15 : i32
    %eq3A_342 = arith.cmpi eq, %add3A, %eq3A_341 : i32
    %convert_element_type3A_343 = arith.extui %eq3A_342 : i1 to i32
    %cond3A_344 = arith.constant 0 : i32
    %cond3A_345 = arith.cmpi ne, %convert_element_type3A_343, %cond3A_344 : i32
    scf.if %cond3A_345 {
      %get3A_346 = arith.constant 0 : index
      %get3A_347 = arith.constant 0 : index
      %get3A_348 = arith.constant 0 : index
      %get3A_349 = vector.load %arg5[%get3A_346, %get3A_347, %get3A_348] : memref<16x8x512xf32, #tpu.memory_space<vmem>>, vector<16x8x512xf32>
      %reduce_sum3A_350 = arith.constant dense<0.000000e+00> : vector<16xf32>
      %reduce_sum3A_351 = vector.multi_reduction <add>, %get3A_349, %reduce_sum3A_350 [1, 2] : vector<16x8x512xf32> to vector<16xf32>
      %slice3A_352 = vector.extract_strided_slice %reduce_sum3A_351 {offsets = [0], sizes = [1], strides = [1]} : vector<16xf32> to vector<1xf32>
      %squeeze3A_353 = vector.extract %slice3A_352[0] : f32 from vector<1xf32>
      %swap3A_354 = arith.constant 0 : index
      %swap3A_355 = arith.constant 0 : index
      %swap3A_356 = memref.load %arg4[%swap3A_354, %swap3A_355] : memref<1x16xf32, #tpu.memory_space<smem>>
      memref.store %squeeze3A_353, %arg4[%swap3A_354, %swap3A_355] : memref<1x16xf32, #tpu.memory_space<smem>>
      %slice3A_357 = vector.extract_strided_slice %reduce_sum3A_351 {offsets = [1], sizes = [1], strides = [1]} : vector<16xf32> to vector<1xf32>
      %squeeze3A_358 = vector.extract %slice3A_357[0] : f32 from vector<1xf32>
      %swap3A_359 = arith.constant 0 : index
      %swap3A_360 = arith.constant 1 : index
      %swap3A_361 = memref.load %arg4[%swap3A_359, %swap3A_360] : memref<1x16xf32, #tpu.memory_space<smem>>
      memref.store %squeeze3A_358, %arg4[%swap3A_359, %swap3A_360] : memref<1x16xf32, #tpu.memory_space<smem>>
      %slice3A_362 = vector.extract_strided_slice %reduce_sum3A_351 {offsets = [2], sizes = [1], strides = [1]} : vector<16xf32> to vector<1xf32>
      %squeeze3A_363 = vector.extract %slice3A_362[0] : f32 from vector<1xf32>
      %swap3A_364 = arith.constant 0 : index
      %swap3A_365 = arith.constant 2 : index
      %swap3A_366 = memref.load %arg4[%swap3A_364, %swap3A_365] : memref<1x16xf32, #tpu.memory_space<smem>>
      memref.store %squeeze3A_363, %arg4[%swap3A_364, %swap3A_365] : memref<1x16xf32, #tpu.memory_space<smem>>
      %slice3A_367 = vector.extract_strided_slice %reduce_sum3A_351 {offsets = [3], sizes = [1], strides = [1]} : vector<16xf32> to vector<1xf32>
      %squeeze3A_368 = vector.extract %slice3A_367[0] : f32 from vector<1xf32>
      %swap3A_369 = arith.constant 0 : index
      %swap3A_370 = arith.constant 3 : index
      %swap3A_371 = memref.load %arg4[%swap3A_369, %swap3A_370] : memref<1x16xf32, #tpu.memory_space<smem>>
      memref.store %squeeze3A_368, %arg4[%swap3A_369, %swap3A_370] : memref<1x16xf32, #tpu.memory_space<smem>>
      %slice3A_372 = vector.extract_strided_slice %reduce_sum3A_351 {offsets = [4], sizes = [1], strides = [1]} : vector<16xf32> to vector<1xf32>
      %squeeze3A_373 = vector.extract %slice3A_372[0] : f32 from vector<1xf32>
      %swap3A_374 = arith.constant 0 : index
      %swap3A_375 = arith.constant 4 : index
      %swap3A_376 = memref.load %arg4[%swap3A_374, %swap3A_375] : memref<1x16xf32, #tpu.memory_space<smem>>
      memref.store %squeeze3A_373, %arg4[%swap3A_374, %swap3A_375] : memref<1x16xf32, #tpu.memory_space<smem>>
      %slice3A_377 = vector.extract_strided_slice %reduce_sum3A_351 {offsets = [5], sizes = [1], strides = [1]} : vector<16xf32> to vector<1xf32>
      %squeeze3A_378 = vector.extract %slice3A_377[0] : f32 from vector<1xf32>
      %swap3A_379 = arith.constant 0 : index
      %swap3A_380 = arith.constant 5 : index
      %swap3A_381 = memref.load %arg4[%swap3A_379, %swap3A_380] : memref<1x16xf32, #tpu.memory_space<smem>>
      memref.store %squeeze3A_378, %arg4[%swap3A_379, %swap3A_380] : memref<1x16xf32, #tpu.memory_space<smem>>
      %slice3A_382 = vector.extract_strided_slice %reduce_sum3A_351 {offsets = [6], sizes = [1], strides = [1]} : vector<16xf32> to vector<1xf32>
      %squeeze3A_383 = vector.extract %slice3A_382[0] : f32 from vector<1xf32>
      %swap3A_384 = arith.constant 0 : index
      %swap3A_385 = arith.constant 6 : index
      %swap3A_386 = memref.load %arg4[%swap3A_384, %swap3A_385] : memref<1x16xf32, #tpu.memory_space<smem>>
      memref.store %squeeze3A_383, %arg4[%swap3A_384, %swap3A_385] : memref<1x16xf32, #tpu.memory_space<smem>>
      %slice3A_387 = vector.extract_strided_slice %reduce_sum3A_351 {offsets = [7], sizes = [1], strides = [1]} : vector<16xf32> to vector<1xf32>
      %squeeze3A_388 = vector.extract %slice3A_387[0] : f32 from vector<1xf32>
      %swap3A_389 = arith.constant 0 : index
      %swap3A_390 = arith.constant 7 : index
      %swap3A_391 = memref.load %arg4[%swap3A_389, %swap3A_390] : memref<1x16xf32, #tpu.memory_space<smem>>
      memref.store %squeeze3A_388, %arg4[%swap3A_389, %swap3A_390] : memref<1x16xf32, #tpu.memory_space<smem>>
      %slice3A_392 = vector.extract_strided_slice %reduce_sum3A_351 {offsets = [8], sizes = [1], strides = [1]} : vector<16xf32> to vector<1xf32>
      %squeeze3A_393 = vector.extract %slice3A_392[0] : f32 from vector<1xf32>
      %swap3A_394 = arith.constant 0 : index
      %swap3A_395 = arith.constant 8 : index
      %swap3A_396 = memref.load %arg4[%swap3A_394, %swap3A_395] : memref<1x16xf32, #tpu.memory_space<smem>>
      memref.store %squeeze3A_393, %arg4[%swap3A_394, %swap3A_395] : memref<1x16xf32, #tpu.memory_space<smem>>
      %slice3A_397 = vector.extract_strided_slice %reduce_sum3A_351 {offsets = [9], sizes = [1], strides = [1]} : vector<16xf32> to vector<1xf32>
      %squeeze3A_398 = vector.extract %slice3A_397[0] : f32 from vector<1xf32>
      %swap3A_399 = arith.constant 0 : index
      %swap3A_400 = arith.constant 9 : index
      %swap3A_401 = memref.load %arg4[%swap3A_399, %swap3A_400] : memref<1x16xf32, #tpu.memory_space<smem>>
      memref.store %squeeze3A_398, %arg4[%swap3A_399, %swap3A_400] : memref<1x16xf32, #tpu.memory_space<smem>>
      %slice3A_402 = vector.extract_strided_slice %reduce_sum3A_351 {offsets = [10], sizes = [1], strides = [1]} : vector<16xf32> to vector<1xf32>
      %squeeze3A_403 = vector.extract %slice3A_402[0] : f32 from vector<1xf32>
      %swap3A_404 = arith.constant 0 : index
      %swap3A_405 = arith.constant 10 : index
      %swap3A_406 = memref.load %arg4[%swap3A_404, %swap3A_405] : memref<1x16xf32, #tpu.memory_space<smem>>
      memref.store %squeeze3A_403, %arg4[%swap3A_404, %swap3A_405] : memref<1x16xf32, #tpu.memory_space<smem>>
      %slice3A_407 = vector.extract_strided_slice %reduce_sum3A_351 {offsets = [11], sizes = [1], strides = [1]} : vector<16xf32> to vector<1xf32>
      %squeeze3A_408 = vector.extract %slice3A_407[0] : f32 from vector<1xf32>
      %swap3A_409 = arith.constant 0 : index
      %swap3A_410 = arith.constant 11 : index
      %swap3A_411 = memref.load %arg4[%swap3A_409, %swap3A_410] : memref<1x16xf32, #tpu.memory_space<smem>>
      memref.store %squeeze3A_408, %arg4[%swap3A_409, %swap3A_410] : memref<1x16xf32, #tpu.memory_space<smem>>
      %slice3A_412 = vector.extract_strided_slice %reduce_sum3A_351 {offsets = [12], sizes = [1], strides = [1]} : vector<16xf32> to vector<1xf32>
      %squeeze3A_413 = vector.extract %slice3A_412[0] : f32 from vector<1xf32>
      %swap3A_414 = arith.constant 0 : index
      %swap3A_415 = arith.constant 12 : index
      %swap3A_416 = memref.load %arg4[%swap3A_414, %swap3A_415] : memref<1x16xf32, #tpu.memory_space<smem>>
      memref.store %squeeze3A_413, %arg4[%swap3A_414, %swap3A_415] : memref<1x16xf32, #tpu.memory_space<smem>>
      %slice3A_417 = vector.extract_strided_slice %reduce_sum3A_351 {offsets = [13], sizes = [1], strides = [1]} : vector<16xf32> to vector<1xf32>
      %squeeze3A_418 = vector.extract %slice3A_417[0] : f32 from vector<1xf32>
      %swap3A_419 = arith.constant 0 : index
      %swap3A_420 = arith.constant 13 : index
      %swap3A_421 = memref.load %arg4[%swap3A_419, %swap3A_420] : memref<1x16xf32, #tpu.memory_space<smem>>
      memref.store %squeeze3A_418, %arg4[%swap3A_419, %swap3A_420] : memref<1x16xf32, #tpu.memory_space<smem>>
      %slice3A_422 = vector.extract_strided_slice %reduce_sum3A_351 {offsets = [14], sizes = [1], strides = [1]} : vector<16xf32> to vector<1xf32>
      %squeeze3A_423 = vector.extract %slice3A_422[0] : f32 from vector<1xf32>
      %swap3A_424 = arith.constant 0 : index
      %swap3A_425 = arith.constant 14 : index
      %swap3A_426 = memref.load %arg4[%swap3A_424, %swap3A_425] : memref<1x16xf32, #tpu.memory_space<smem>>
      memref.store %squeeze3A_423, %arg4[%swap3A_424, %swap3A_425] : memref<1x16xf32, #tpu.memory_space<smem>>
      %slice3A_427 = vector.extract_strided_slice %reduce_sum3A_351 {offsets = [15], sizes = [1], strides = [1]} : vector<16xf32> to vector<1xf32>
      %squeeze3A_428 = vector.extract %slice3A_427[0] : f32 from vector<1xf32>
      %swap3A_429 = arith.constant 0 : index
      %swap3A_430 = arith.constant 15 : index
      %swap3A_431 = memref.load %arg4[%swap3A_429, %swap3A_430] : memref<1x16xf32, #tpu.memory_space<smem>>
      memref.store %squeeze3A_428, %arg4[%swap3A_429, %swap3A_430] : memref<1x16xf32, #tpu.memory_space<smem>>
    } else {
    }
    return
  }
  func.func @transform_0(%arg0: i32, %arg1: i32) -> (i32, i32, i32) {
    %c0_i32 = arith.constant 0 : i32
    %c0_i32_0 = arith.constant 0 : i32
    return %arg0, %arg1, %c0_i32 : i32, i32, i32
  }
  func.func @transform_1(%arg0: i32, %arg1: i32) -> (i32, i32, i32) {
    %c0_i32 = arith.constant 0 : i32
    %c0_i32_0 = arith.constant 0 : i32
    return %arg0, %arg1, %c0_i32 : i32, i32, i32
  }
  func.func @transform_2(%arg0: i32, %arg1: i32) -> (i32, i32) {
    %c0_i32 = arith.constant 0 : i32
    %c0_i32_0 = arith.constant 0 : i32
    %c0_i32_1 = arith.constant 0 : i32
    return %c0_i32, %c0_i32_0 : i32, i32
  }
}

</mosaic_0001>

<sc_bundles>
// kernel: _loss.4.cloned.1.call-start
scs
__scs_entry_jumppad:
0x0: {  	(pc) =	sbr.rel $0x88, $3  }
0x1: {  	(tag) =	ssettag $0x0;
	lr =	simm.s32 $0x1  }
0x2: {  	[smem:$0x3F9F] =	sst lr;
	_ =	strace $0xD0000000  }
0x3: {  	_ = 	snop  }
0x4: {  	_ = 	snop  }
0x5: {  	_ = 	snop  }
0x6: {  	_ = 	snop  }
0x7: {  	_ = 	snop  }
__scs_overlays_trampoline_lowered:
0x8: {  	[smem:$0x3FAE] =	sst s0  }
0x9: {  	[smem:$0x3FAF] =	sst s1  }
0xa: {  	[smem:$0x3FB0] =	sst s2  }
0xb: {  	[smem:$0x3FB1] =	sst s3  }
0xc: {  	[smem:$0x3FB2] =	sst s4  }
0xd: {  	[smem:$0x3FB3] =	sst s5  }
0xe: {  	[smem:$0x3FB4] =	sst s6  }
0xf: {  	[smem:$0x3FB5] =	sst s7  }
0x10: {  	[smem:$0x3FB6] =	sst s8  }
0x11: {  	[smem:$0x3FB7] =	sst s9;
	s0 =	simm.s32 @!p0 $0x0  }
0x12: {  	s1 =	sld [smem:$0x3F9D];
	s0 =	simm.s32 @p0 $0x1  }
0x13: {  	[smem:$0x3FB8] =	sst s0;
	s0 =	simm.s32 @!p1 $0x0  }
0x14: {  	s2 =	sld [smem:$0x3F9C];
	s0 =	simm.s32 @p1 $0x1  }
0x15: {  	[smem:$0x3FB9] =	sst s0;
	s0 =	simm.s32 @!p2 $0x0  }
0x16: {  	s3 =	sld [smem:$0x3FDB];
	s0 =	simm.s32 @p2 $0x1  }
0x17: {  	s4 =	simm.s32 $0x1BF5;
	[smem:$0x3FBB] =	sst s0  }
0x18: {  	s0 =	sld [smem:$0x3F9E];
	_ =	swait.ge [sflag:s4], $0x0  }
0x19: {  	s7 =	sld [smem:$0x3F9F]  }
0x1a: {  	s8 =	sadd.s32 $0xFFFFE003, lr  }
0x1b: {  	s9 =	sadd.s32 $0xFFFFFEF7, lr;
	s5 =	simm.s32 $0xFFFFFFFF;
	p2 =	slt.u32 s8, $0xFFFFF086  }
0x1c: {  	p1 =	slt.u32 s9, $0xF7A;
	s5 =	simm.s32 @!p2 $0x0  }
0x1d: {  	s5 =	simm.s32 @p1 $0x1;
	p0 =	seq.s32 s7, s2  }
0x1e: {  	s7 =	smul.u32 @!p0 $0xF7A, s2;
	p2 =	seq.s32 @!p0 s5, $0x0  }
0x1f: {  	s9 =	smul.u32 $0xF7A, s1;
	s8 =	simm.s32 @!p0 $0x1BF5;
	p2 =	por !p2, p0  }
0x20: {  	[sflag:s8] =	ssyncset.s32 @!p0 $0xFFFFF086;
	s6 =	sadd.s32 @!p0 s3, s7;
	s7 =	simm.s32 @!p0 $0x108  }
0x21: {  	s3 =	sadd.s32 s3, s9;
	s6 =	sadd.s32 @!p0 $0x88, s6;
	s7 =	simm.s32 @p2 $0x1082  }
0x22: {  	[simem:s7], [sflag:s8] =	dma.local @!p0 [hbm:s6], $0xF7A  }
0x23: {  	s9 =	sor.u32 $0xD0000000, s2;
	s6 =	simm.s32 $0x108;
	_ =	swait.ge @!p0 [sflag:s8], $0x0  }
0x24: {  	s3 =	sadd.s32 $0x88, s3;
	s6 =	simm.s32 @!p1 $0x1082;
	[sflag:s4] =	ssyncset.s32 $0xFFFFF086  }
0x25: {  	[simem:s6], [sflag:s4] =	dma.local [hbm:s3], $0xF7A  }
0x26: {  	[smem:$0x3F9F] =	sst s1;
	(tag) =	ssettag s2;
	_ =	strace s9  }
0x27: {  	s1 =	sld [smem:$0x3FAF]  }
0x28: {  	s2 =	sld [smem:$0x3FB0]  }
0x29: {  	s4 =	sld [smem:$0x3FB2]  }
0x2a: {  	p0 =	seq.s32 s5, $0x0;
	s5 =	sld [smem:$0x3FB3]  }
0x2b: {  	s6 =	sld [smem:$0x3FB4]  }
0x2c: {  	s7 =	sld [smem:$0x3FB5]  }
0x2d: {  	s3 =	simm.s32 $0x108;
	s8 =	sld [smem:$0x3FB6]  }
0x2e: {  	s3 =	simm.s32 @!p0 $0x1082;
	s9 =	sld [smem:$0x3FB7]  }
0x2f: {  	lr =	sadd.s32 s0, s3;
	s0 =	sld [smem:$0x3FAE]  }
0x30: {  	s3 =	sld [smem:$0x3FB1]  }
0x31: {  	[smem:$0x3FBA] =	sst s10  }
0x32: {  	s10 =	sld [smem:$0x3FB8];
	_ =	sdelay $0x3  }
0x33: {  	p0 =	seq.s32 s10, $0x1;
	s10 =	sld [smem:$0x3FBA];
	_ =	sdelay $0x3  }
0x34: {  	[smem:$0x3FBA] =	sst s10  }
0x35: {  	s10 =	sld [smem:$0x3FB9];
	_ =	sdelay $0x3  }
0x36: {  	p1 =	seq.s32 s10, $0x1;
	s10 =	sld [smem:$0x3FBA];
	_ =	sdelay $0x3  }
0x37: {  	[smem:$0x3FBA] =	sst s10  }
0x38: {  	s10 =	sld [smem:$0x3FBB]  }
0x39: {  	_ = 	snop;
	(pc) =	sbr.ind lr, $3  }
0x3a: {  	_ = 	snop  }
0x3b: {  	_ = 	snop  }
0x3c: {  	p2 =	seq.s32 s10, $0x1;
	s10 =	sld [smem:$0x3FBA]  }
0x3d: {  	_ =	shalt  }
0x3e: {  	_ =	shalt  }
0x3f: {  	_ =	shalt  }
0x40: {  	_ =	shalt  }
0x41: {  	_ =	shalt  }
0x42: {  	_ =	shalt  }
0x43: {  	_ =	shalt  }
0x44: {  	_ =	shalt  }
0x45: {  	_ =	shalt  }
0x46: {  	_ =	shalt  }
0x47: {  	_ =	shalt  }
0x48: {  	_ =	shalt  }
0x49: {  	_ =	shalt  }
0x4a: {  	_ =	shalt  }
0x4b: {  	_ =	shalt  }
0x4c: {  	_ =	shalt  }
0x4d: {  	_ =	shalt  }
0x4e: {  	_ =	shalt  }
0x4f: {  	_ =	shalt  }
0x50: {  	_ =	shalt  }
0x51: {  	_ =	shalt  }
0x52: {  	_ =	shalt  }
0x53: {  	_ =	shalt  }
0x54: {  	_ =	shalt  }
0x55: {  	_ =	shalt  }
0x56: {  	_ =	shalt  }
0x57: {  	_ =	shalt  }
0x58: {  	_ =	shalt  }
0x59: {  	_ =	shalt  }
0x5a: {  	_ =	shalt  }
0x5b: {  	_ =	shalt  }
0x5c: {  	_ =	shalt  }
0x5d: {  	_ =	shalt  }
0x5e: {  	_ =	shalt  }
0x5f: {  	_ =	shalt  }
0x60: {  	_ =	shalt  }
0x61: {  	_ =	shalt  }
0x62: {  	_ =	shalt  }
0x63: {  	_ =	shalt  }
0x64: {  	_ =	shalt  }
0x65: {  	_ =	shalt  }
0x66: {  	_ =	shalt  }
0x67: {  	_ =	shalt  }
0x68: {  	_ =	shalt  }
0x69: {  	_ =	shalt  }
0x6a: {  	_ =	shalt  }
0x6b: {  	_ =	shalt  }
0x6c: {  	_ =	shalt  }
0x6d: {  	_ =	shalt  }
0x6e: {  	_ =	shalt  }
0x6f: {  	_ =	shalt  }
0x70: {  	_ =	shalt  }
0x71: {  	_ =	shalt  }
0x72: {  	_ =	shalt  }
0x73: {  	_ =	shalt  }
0x74: {  	_ =	shalt  }
0x75: {  	_ =	shalt  }
0x76: {  	_ =	shalt  }
0x77: {  	_ =	shalt  }
0x78: {  	_ =	shalt  }
0x79: {  	_ =	shalt  }
0x7a: {  	_ =	shalt  }
0x7b: {  	_ =	shalt  }
0x7c: {  	_ =	shalt  }
0x7d: {  	_ =	shalt  }
0x7e: {  	_ =	shalt  }
0x7f: {  	_ =	shalt  }
0x80: {  	_ =	shalt  }
0x81: {  	_ =	shalt  }
0x82: {  	_ =	shalt  }
0x83: {  	_ =	shalt  }
0x84: {  	_ =	shalt  }
0x85: {  	_ =	shalt  }
0x86: {  	_ =	shalt  }
0x87: {  	_ =	shalt  }
.Lfunc_end0:
.L_simem_size_0:
called_computation_lowered:
.L_overlay_start_0:
0x88: {  	s2 =	sld [smem:$0x3FD9]  }
0x89: {  	s3 =	sld [smem:$0x3FFE];
	_ =	sdelay $0x1  }
0x8a: {  	s1 =	srdreg.scid  }
0x8b: {  	s0 =	sand.u32 $0x1, s1  }
0x8c: {  	s16 =	sshll.u32 s0, $0xA;
	s2 =	sadd.s32 s3, s2  }
0x8d: {  	s2 =	sadd.s32 s2, s16  }
0x8e: {  	[smem:$0x3FC6] =	sst s2  }
0x8f: {  	_ = 	snop  }
0x90: {  	(tm) =	ssettm $0x1  }
0x91: {  	s17 =	sld [smem:$0x3FFB];
	_ =	sdelay $0x3  }
0x92: {  	_ =	strace s17  }
0x93: {  	s2 =	sld [smem:$0x3FFC];
	_ =	sdelay $0x3  }
0x94: {  	_ =	strace s2  }
0x95: {  	s2 =	sld [smem:$0x3FFD];
	_ =	sdelay $0x3  }
0x96: {  	_ =	strace s2  }
0x97: {  	_ =	strace $0x8FFFFFFF  }
0x98: {  	s18 =	sld [smem:$0x3FDB];
	_ =	sdelay $0x1  }
0x99: {  	s19 =	simm.s32 $_scs_section_size  }
0x9a: {  	s4 =	simm.s32 $_size__tile_overlayer_lowered;
	s5 =	simm.s32 $_tile_overlayer_lowered  }
0x9b: {  	s22 =	simm.s32 $0x1BFF;
	s21 =	sshll.u32 s5, $0x1;
	s2 =	sadd.s32 s19, s18  }
0x9c: {  	s6 =	simm.s32 $0x0;
	s20 =	sshll.u32 s4, $0x1;
	s4 =	sadd.s32 s21, s2  }
0x9d: {  	[timem:s6], [sflag:s22] =	dma.local [hbm:s4], s20  }
0x9e: {  	_ =	swait.ge [sflag:s22], s20  }
0x9f: {  	s3 =	ssub.s32 $0x0, s20;
	[sflag:s22] =	ssyncset.done $0x0  }
0xa0: {  	[sflag:s22] =	ssyncadd.s32 s3;
	_ =	sdelay $0x1  }
0xa1: {  	s23 =	simm.s32 $0x1B8B  }
0xa2: {  	_ =	swait.ge [sflag:s23], $0x1  }
0xa3: {  	[sflag:s23] =	ssyncset.done $0x0  }
0xa4: {  	s25 =	simm.s32 $0x1B8E;
	s24 =	sld [smem:$0x3FFE];
	[sflag:s23] =	ssyncadd.s32 $0xFFFFFFFF  }
0xa5: {  	s26 =	simm.s32 $execute0_lowered;
	[smem:$0x3FD2] =	sst s25  }
0xa6: {  	s4 =	sshll.u32 s26, $0x1;
	_ =	strace $0x80000046;
	[dreg:$0x1] =	wrdreg $0xFFFFFFFF  }
0xa7: {  	s28 =	simm.s32 $_size_execute0_lowered;
	s2 =	sadd.s32 s2, s4;
	[dreg:$0x0] =	wrdreg $0x0  }
0xa8: {  	s4 =	sshll.u32 s28, $0x1;
	[dreg:$0x2] =	wrdreg s2  }
0xa9: {  	[dreg:$0x3] =	wrdreg s4  }
0xaa: {  	[dreg:$0x4] =	wrdreg $0xC0  }
0xab: {  	_ =	task [dreg:s6], $0x5FFFF  }
0xac: {  	[dreg:$0x1] =	wrdreg $0xFFFFFFFF  }
0xad: {  	[dreg:$0x0] =	wrdreg $0x60  }
0xae: {  	[dreg:$0x2] =	wrdreg s24  }
0xaf: {  	[dreg:$0x3] =	wrdreg $0x9  }
0xb0: {  	_ =	task.clear_ibuf [dreg:s6], $0x4FFFF;
	_ =	strace $0x90000046  }
0xb1: {  	s29 =	simm.s32 $0x9;
	_ =	strace $0x80000048  }
0xb2: {  	_ =	swait.ge [sflag:s29], $0x1  }
0xb3: {  	[sflag:s29] =	ssyncadd.s32 $0xFFFFFFFF  }
0xb4: {  	_ =	strace $0x90000048  }
0xb5: {  	_ =	sfence  }
0xb6: {  	s30 =	sld [smem:$0x0];
	_ =	sdelay $0x2  }
0xb7: {  	s31 =	sshll.u32 s1, $0xD;
	s1 =	sshrl.u32 s1, $0x2  }
0xb8: {  	s3 =	sand.u32 $0x4000, s31;
	s1 =	sadd.s32 s1, s30  }
0xb9: {  	s0 =	sor.u32 s3, s0;
	s1 =	sshll.u32 s1, $0x11  }
0xba: {  	s0 =	sor.u32 s1, s0  }
0xbb: {  	s0 =	sadd.s32 $0x8F2B, s0  }
0xbc: {  	[sflag:s0] =	ssyncadd.remote.s32 $0x1  }
0xbd: {  	_ =	sfence.sel $0xFFFF  }
0xbe: {  	[dreg:$0x0] =	wrdreg $0xFFFFFFFF;
	(pc) =	sbr.abs _section_cstart, $3  }
0xbf: {  	[dreg:$0x1] =	wrdreg $0xFFFFFFFF  }
0xc0: {  	_ =	task.clear_ibuf [dreg:s6], $0x2FFFF;
	_ =	strace $0x9FFFFFFF  }
0xc1: {  	(tm) =	ssettm $0x7FFFFFFF  }
tec
execute0_lowered:
.L_overlay_start_1:
0x0: {  	(tag) =	ssettag $0x1  }
0x1: {  	s3 =	rddreg [dreg:$0x0]  }
0x2: {  	s0 =	rddreg [dreg:$0x1]  }
0x3: {  	s4 =	srdreg.scid;
	s1 =	stileid.u32  }
0x4: {  	s2 =	simm.s32 $0x0;
	s4 =	sand.u32 $0x1, s4;
	s5 =	sshll.u32 s1, $0x1  }
0x5: {  	s8 =	simm.s32 $0x0;
	[smem:$0x7FF] =	sst s2;
	s5 =	sor.u32 s4, s5  }
0x6: {  	s4 =	ssub.s32 $0x2, s4;
	_ =	strace $0x80000047;
	s6 =	sshll.u32 s5, $0x4  }
0x7: {  	s7 =	sshrl.u32 s4, $0x1;
	s31 =	sshll.u32 s5, $0xC;
	s6 =	sadd.s32 s6, s3  }
0x8: {  	s7 =	ssub.s32 s4, s7;
	s3 =	sadd.s32 s3, s31;
	s4 =	sadd.s32 $0x20000, s6  }
0x9: {  	v0 =	vimm.f32 $0.0e+00;
	v1 =	vlaneseq.u32;
	v2 =	vimm.f32 $1.000000000e+00;
	s5 =	smax.u32 s7, $0x1;
	s6 =	simm.s32 $0x1;
	s7 =	simm.s32 $0x8000  }
.LBB2_1:
0xa: {  	[tilespmem:s2], [sflag:$0x1] =	stream.linear.gather [hbm4b:s3+s2], $0x8000, $0x38;
	[tilespmem:$0x8080] =	vst v63  }
0xb: {  	_ =	swait.ge [sflag:s6], $0x8000  }
0xc: {  	[sflag:s6] =	ssyncset.done $0x0  }
0xd: {  	[sflag:s6] =	ssyncadd.s32 $0xFFFF8000  }
0xe: {  	[tilespmem:$0x8000] =	vst v0  }
0xf: {  	[tilespmem:$0x8010] =	vst v0  }
0x10: {  	[tilespmem:$0x8020] =	vst v0  }
0x11: {  	[tilespmem:$0x8030] =	vst v0  }
0x12: {  	[tilespmem:$0x8040] =	vst v0  }
0x13: {  	[tilespmem:$0x8050] =	vst v0  }
0x14: {  	[tilespmem:$0x8060] =	vst v0  }
0x15: {  	s9 =	simm.s32 $0x0;
	[tilespmem:$0x8070] =	vst v0  }
.LBB2_2:
0x16: {  	s10 =	sshra.s32 s9, $0x2  }
0x17: {  	v3 =	vld [tilespmem:s10+$0x0];
	_ =	sdelay $0x4  }
0x18: {  	v3 =	vshll.u32 v3, $0x4  }
0x19: {  	v3 =	vor.u32 v1, v3;
	_ =	sdelay $0x4  }
0x1a: {  	[tilespmem:v3+s7+$0x0] =	vst.idx.add.f32.msk $0xffff, v2  }
0x1b: {  	v3 =	vld [tilespmem:s10+$0x10];
	_ =	sdelay $0x4  }
0x1c: {  	v3 =	vshll.u32 v3, $0x4  }
0x1d: {  	v3 =	vor.u32 v1, v3;
	_ =	sdelay $0x4  }
0x1e: {  	[tilespmem:v3+s7+$0x0] =	vst.idx.add.f32.msk $0xffff, v2  }
0x1f: {  	v3 =	vld [tilespmem:s10+$0x20];
	_ =	sdelay $0x4  }
0x20: {  	v3 =	vshll.u32 v3, $0x4  }
0x21: {  	v3 =	vor.u32 v1, v3;
	_ =	sdelay $0x4  }
0x22: {  	[tilespmem:v3+s7+$0x0] =	vst.idx.add.f32.msk $0xffff, v2  }
0x23: {  	v3 =	vld [tilespmem:s10+$0x30];
	_ =	sdelay $0x4  }
0x24: {  	v3 =	vshll.u32 v3, $0x4  }
0x25: {  	v3 =	vor.u32 v1, v3;
	_ =	sdelay $0x4  }
0x26: {  	[tilespmem:v3+s7+$0x0] =	vst.idx.add.f32.msk $0xffff, v2  }
0x27: {  	v3 =	vld [tilespmem:s10+$0x40];
	_ =	sdelay $0x4  }
0x28: {  	v3 =	vshll.u32 v3, $0x4  }
0x29: {  	v3 =	vor.u32 v1, v3;
	_ =	sdelay $0x4  }
0x2a: {  	[tilespmem:v3+s7+$0x0] =	vst.idx.add.f32.msk $0xffff, v2  }
0x2b: {  	v3 =	vld [tilespmem:s10+$0x50];
	_ =	sdelay $0x4  }
0x2c: {  	v3 =	vshll.u32 v3, $0x4  }
0x2d: {  	v3 =	vor.u32 v1, v3;
	_ =	sdelay $0x4  }
0x2e: {  	[tilespmem:v3+s7+$0x0] =	vst.idx.add.f32.msk $0xffff, v2  }
0x2f: {  	v3 =	vld [tilespmem:s10+$0x60];
	_ =	sdelay $0x4  }
0x30: {  	v3 =	vshll.u32 v3, $0x4  }
0x31: {  	v3 =	vor.u32 v1, v3;
	_ =	sdelay $0x4  }
0x32: {  	[tilespmem:v3+s7+$0x0] =	vst.idx.add.f32.msk $0xffff, v2  }
0x33: {  	v3 =	vld [tilespmem:s10+$0x70];
	_ =	sdelay $0x4  }
0x34: {  	v3 =	vshll.u32 v3, $0x4  }
0x35: {  	p0 =	sne.s32 s9, $0x1FE00;
	v3 =	vor.u32 v1, v3  }
.Ltmp0:
0x36: {  	_ = 	snop;
	(pc) =	sbr.rel @p0 .LBB2_2-.Ltmp0, $2  }
0x37: {  	_ =	sdelay $0x2  }
0x38: {  	s9 =	sadd.s32 $0x200, s9;
	[tilespmem:v3+s7+$0x0] =	vst.idx.add.f32.msk $0xffff, v2  }
0x39: {  	s8 =	sadd.s32 $0x1, s8  }
0x3a: {  	p0 =	sne.s32 s8, s5  }
.Ltmp1:
0x3b: {  	_ = 	snop;
	(pc) =	sbr.rel @p0 .LBB2_1-.Ltmp1, $4  }
0x3c: {  	[hbm4b:s4+s2] =	stream.linear.scatter [tilespmem:s7], [sflag:$0x1], $0x80, $0x38;
	[tilespmem:$0x8080] =	vst v63  }
0x3d: {  	_ =	swait.ge [sflag:s6], $0x80  }
0x3e: {  	[sflag:s6] =	ssyncset.done $0x0  }
0x3f: {  	[sflag:s6] =	ssyncadd.s32 $0xFFFFFF80  }
0x40: {  	_ =	sfence.sel $0x180000  }
0x41: {  	[bflag:$0x0] =	sbarrier.arrive $0xFFFF  }
0x42: {  	p0 =	sne.s32 s1, $0x0;
	_ =	strace $0x90000047  }
0x43: {  	s0 =	sadd.s32 @!p0 $0x100000, s0;
	[bflag:$0x2] =	sbarrier.arrive $0xFFFF  }
0x44: {  	[sflag:s0] =	ssyncadd.tile.s32 @!p0 $0x1;
	_ =	shalt  }
.Lfunc_end2:
_tile_overlayer_lowered:
.L_overlay_start_2:
0x45: {  	(tag) =	ssettag $0x2  }
0x46: {  	s0 =	rddreg [dreg:$0x0];
	s2 =	stileid.u32  }
0x47: {  	s1 =	rddreg [dreg:$0x1];
	p0 =	sne.s32 s2, $0x0  }
0x48: {  	s3 =	rddreg [dreg:$0x2];
	[bflag:$0x3] =	sbarrier.arrive $0xFFFF;
	s2 =	simm.s32 @!p0 $0x1C01  }
0x49: {  	[timem:s3], [sflag:s2] =	dma.local @!p0 [hbm:s0], s1  }
0x4a: {  	s0 =	simm.s32 @!p0 $0x1  }
0x4b: {  	_ =	swait.ge @!p0 [sflag:s0], s1  }
0x4c: {  	s1 =	ssub.s32 @!p0 $0x0, s1;
	[sflag:s0] =	ssyncset.done @!p0 $0x0  }
0x4d: {  	[sflag:s0] =	ssyncadd.s32 @!p0 s1  }
0x4e: {  	[bflag:$0x3] =	sbarrier.arrive $0xFFFF  }
0x4f: {  	_ =	shalt  }

</sc_bundles>
